<compile_context>
chip_gen: v7x
topology: tpu7x:2x2x1
jax: 0.10.2.dev20260603
libtpu: 0.0.44.dev20260713+nightly
codegen_flags: <defaults>
</compile_context>

<pallas_src>
import functools
import math

import jax
import jax.numpy as jnp
from jax import lax
from jax.experimental import pallas as pl
from jax.experimental.pallas import tpu as pltpu
from jax.experimental.pallas import tpu_sc as plsc

_M = 512


def _live(i, m_ref):
    return jnp.minimum(i, m_ref[0, 64])


def _routing_body(K, M, TP, kf_ref, pos_ref, meta_ref):
    R, C = kf_ref.shape
    kf = kf_ref[...]
    row = lax.broadcasted_iota(jnp.int32, (C, C), 0)
    col = lax.broadcasted_iota(jnp.int32, (C, C), 1)
    l_incl = (row <= col).astype(jnp.float32)
    rr = lax.broadcasted_iota(jnp.int32, (R, R), 0)
    cc = lax.broadcasted_iota(jnp.int32, (R, R), 1)
    l_strict = (cc < rr).astype(jnp.float32)

    ranks = []
    masks = []
    tiles_cum = []
    total_tiles = jnp.int32(0)
    pos = jnp.zeros((R, C), jnp.int32)
    for k in range(K):
        m = (kf == k)
        x = m.astype(jnp.float32)
        pref = lax.dot_general(x, l_incl, (((1,), (0,)), ((), ())),
                               preferred_element_type=jnp.float32)
        rowtot = pref[:, C - 1:C]
        rowoff = lax.dot_general(l_strict, rowtot, (((1,), (0,)), ((), ())),
                                 preferred_element_type=jnp.float32)
        rank = (pref - 1.0 + rowoff).astype(jnp.int32)
        cnt = jnp.sum(x).astype(jnp.int32)
        ntiles = (cnt + (M - 1)) // M
        start = total_tiles
        total_tiles = total_tiles + ntiles
        tiles_cum.append(total_tiles)
        pos = pos + jnp.where(m, start * M + rank, 0)
    pos_ref[...] = pos

    ic = lax.broadcasted_iota(jnp.int32, (1, C), 1)
    eot = jnp.zeros((1, C), jnp.int32)
    for k in range(K):
        eot = eot + (ic >= tiles_cum[k]).astype(jnp.int32)
    eot = jnp.minimum(eot, K - 1)
    meta = jnp.where(ic < TP, eot, 0) + jnp.where(ic == 64, total_tiles, 0)
    meta_ref[...] = meta


def _mlp_body(m_ref, vals_a_ref, vals_b_ref, bcol_ref, w1_ref, b1_ref,
              w2_ref, b2_ref, out_ref):
    @pl.when(pl.program_id(0) < m_ref[0, 64])
    def _():
        v = vals_a_ref[0] + vals_b_ref[0]
        yt = bcol_ref[0] * v
        fft = jnp.concatenate([jnp.sin(yt), jnp.cos(yt)], axis=0)
        h = lax.dot_general(fft, w1_ref[0], (((0,), (0,)), ((), ())),
                            preferred_element_type=jnp.float32)
        h = h + b1_ref[0]
        h = 0.5 * h * (1.0 + lax.erf(h * (1.0 / math.sqrt(2.0))))
        out_ref[...] = jnp.dot(h, w2_ref[0],
                               preferred_element_type=jnp.float32) + b2_ref[0]


def kernel(values, kinds, Bmat, kind_emb, W1, b1, W2, b2):
    N, S, _ = values.shape
    T = N * S
    K, d = kind_emb.shape
    B = Bmat.shape[1]
    Bp = ((B + 7) // 8) * 8
    M = _M
    TP = T // M + K - 1
    Tpad = TP * M

    f32 = jnp.float32
    NC, NS = 2, 16
    NW = NC * NS
    tpw = T // NW

    kf2d = kinds.reshape(NW, tpw).astype(jnp.int32)
    pos2d, meta = pl.pallas_call(
        functools.partial(_routing_body, K, M, TP),
        grid=(1,),
        in_specs=[pl.BlockSpec((NW, tpw), lambda i: (0, 0))],
        out_specs=[pl.BlockSpec((NW, tpw), lambda i: (0, 0)),
                   pl.BlockSpec((1, tpw), lambda i: (0, 0))],
        out_shape=[jax.ShapeDtypeStruct((NW, tpw), jnp.int32),
                   jax.ShapeDtypeStruct((1, tpw), jnp.int32)],
    )(kf2d)

    if Bp == B:
        W1p = W1
        bcol = ((2.0 * math.pi) * Bmat[0]).reshape(1, B, 1)
    else:
        zpad = jnp.zeros((K, Bp - B, d), f32)
        W1p = jnp.concatenate([W1[:, :B], zpad, W1[:, B:], zpad], axis=1)
        bcol = jnp.pad((2.0 * math.pi) * Bmat[0], (0, Bp - B)).reshape(1, Bp, 1)
    b1r = b1.reshape(K, 1, d)
    b2r = (b2 + kind_emb).reshape(K, 1, d)

    vals2d = values.reshape(NW, tpw)

    mesh = plsc.VectorSubcoreMesh(core_axis_name="c", subcore_axis_name="s")

    zpw = Tpad // NS

    @functools.partial(
        pl.kernel, mesh=mesh,
        out_type=jax.ShapeDtypeStruct((NC, Tpad), f32),
        scratch_types=[
            pltpu.VMEM((tpw,), jnp.int32),
            pltpu.VMEM((tpw,), f32),
            pltpu.VMEM((zpw,), f32),
            pltpu.VMEM_SHARED((Tpad,), f32),
        ],
    )
    def scatter_vals(vals_hbm, pos_hbm, out_hbm, idx_v, val_v, zero_v, shared):
        cid = lax.axis_index("c")
        sid = lax.axis_index("s")
        wid = sid * NC + cid

        def zbody(i, carry):
            zero_v[pl.ds(i * 16, 16)] = jnp.zeros((16,), f32)
            return carry

        lax.fori_loop(0, zpw // 16, zbody, 0)
        pltpu.sync_copy(zero_v, shared.at[pl.ds(sid * zpw, zpw)])
        pltpu.sync_copy(pos_hbm.at[wid], idx_v)
        pltpu.sync_copy(vals_hbm.at[wid], val_v)
        plsc.subcore_barrier()
        pltpu.sync_copy(val_v, shared.at[idx_v])
        plsc.subcore_barrier()

        @pl.when(sid == 0)
        def _():
            pltpu.sync_copy(shared, out_hbm.at[cid])

    vals_sorted2 = scatter_vals(vals2d, pos2d)
    vals_sorted = vals_sorted2.reshape(NC * TP, 1, M)

    grid_spec = pltpu.PrefetchScalarGridSpec(
        num_scalar_prefetch=1,
        grid=(TP,),
        in_specs=[
            pl.BlockSpec((1, 1, M),
                         lambda i, m: (_live(i, m), 0, 0)),
            pl.BlockSpec((1, 1, M),
                         lambda i, m: (TP + _live(i, m), 0, 0)),
            pl.BlockSpec((1, Bp, 1), lambda i, m: (0, 0, 0)),
            pl.BlockSpec((1, 2 * Bp, d), lambda i, m: (m[0, i], 0, 0)),
            pl.BlockSpec((1, 1, d), lambda i, m: (m[0, i], 0, 0)),
            pl.BlockSpec((1, d, d), lambda i, m: (m[0, i], 0, 0)),
            pl.BlockSpec((1, 1, d), lambda i, m: (m[0, i], 0, 0)),
        ],
        out_specs=pl.BlockSpec((M, d), lambda i, m: (_live(i, m), 0)),
    )
    out_sorted = pl.pallas_call(
        _mlp_body,
        grid_spec=grid_spec,
        out_shape=jax.ShapeDtypeStruct((Tpad, d), f32),
        compiler_params=pltpu.CompilerParams(
            dimension_semantics=("arbitrary",)),
    )(meta, vals_sorted, vals_sorted, bcol, W1p, b1r, W2, b2r)

    C = 32
    NCH = tpw // C

    @functools.partial(
        pl.kernel, mesh=mesh,
        out_type=jax.ShapeDtypeStruct((T, d), f32),
        scratch_types=[
            pltpu.VMEM((C,), jnp.int32),
            pltpu.VMEM((C,), jnp.int32),
            pltpu.VMEM((C, d), f32),
            pltpu.VMEM((C, d), f32),
            pltpu.SemaphoreType.DMA,
            pltpu.SemaphoreType.DMA,
            pltpu.SemaphoreType.DMA,
            pltpu.SemaphoreType.DMA,
            pltpu.SemaphoreType.DMA,
            pltpu.SemaphoreType.DMA,
        ],
    )
    def gather_rows(table_hbm, pos_hbm, out_hbm, i0, i1, r0, r1,
                    si0, si1, sg0, sg1, sw0, sw1):
        wid = lax.axis_index("s") * NC + lax.axis_index("c")
        base = wid * tpw
        idx = [i0, i1]
        rows = [r0, r1]
        sis = [si0, si1]
        sgs = [sg0, sg1]
        sws = [sw0, sw1]

        di = [None] * NCH
        dg = [None] * NCH
        dw = [None] * NCH
        di[0] = pltpu.async_copy(pos_hbm.at[pl.ds(base, C)], idx[0], sis[0])
        for c in range(NCH):
            b = c % 2
            if c + 1 < NCH:
                di[c + 1] = pltpu.async_copy(
                    pos_hbm.at[pl.ds(base + (c + 1) * C, C)],
                    idx[(c + 1) % 2], sis[(c + 1) % 2])
            di[c].wait()
            if c >= 2:
                dw[c - 2].wait()
            dg[c] = pltpu.async_copy(table_hbm.at[idx[b]], rows[b], sgs[b])
            dg[c].wait()
            dw[c] = pltpu.async_copy(rows[b], out_hbm.at[pl.ds(base + c * C, C)],
                                     sws[b])
        for c in range(max(0, NCH - 2), NCH):
            dw[c].wait()

    out = gather_rows(out_sorted, pos2d.reshape(T))
    return out.reshape(N, S, d)

# --- scband reference (transcript-rebuilt; emitter-appended) ---
"""Pipeline reference for scband-field-typed-projector-66949950210382 (READ-ONLY COPY).

The authoritative reference and input builder live on the scoring server;
editing this copy changes nothing except your own understanding.
"""

import jax, jax.numpy as jnp
import numpy as np
import math


def setup_inputs(seed: int = 0) -> dict:
    key = jax.random.key(seed)
    ks = jax.random.split(key, 8)
    N, S = 2, 2048
    K, d_model, B = 8, 1024, 24
    values = jax.random.normal(ks[0], (N, S, 1), dtype=jnp.float32)
    kinds = jax.random.randint(ks[1], (N, S), 0, K)
    # Fourier projection matrix (frozen buffer, sigma=8.0)
    Bmat = jax.random.normal(ks[2], (1, B), dtype=jnp.float32) * 8.0
    kind_emb = jax.random.normal(ks[3], (K, d_model), dtype=jnp.float32) * 0.02
    # per-kind MLP weights: Linear(2B, d_model) -> GELU -> Linear(d_model, d_model)
    W1 = jax.random.normal(ks[4], (K, 2 * B, d_model), dtype=jnp.float32) * (1.0 / math.sqrt(2 * B))
    b1 = jnp.zeros((K, d_model), dtype=jnp.float32)
    W2 = jax.random.normal(ks[5], (K, d_model, d_model), dtype=jnp.float32) * (1.0 / math.sqrt(d_model))
    b2 = jnp.zeros((K, d_model), dtype=jnp.float32)
    return {"values": values, "kinds": kinds, "Bmat": Bmat, "kind_emb": kind_emb,
            "W1": W1, "b1": b1, "W2": W2, "b2": b2}


def reference(values, kinds, Bmat, kind_emb, W1, b1, W2, b2):
    N, S, _ = values.shape
    d_model = kind_emb.shape[1]
    # Fourier features on flattened scalar values
    x = values.reshape(-1, 1)
    y = 2.0 * math.pi * (x @ Bmat)
    vals_ff = jnp.concatenate([jnp.sin(y), jnp.cos(y)], axis=-1)  # [T, 2B]
    # Run every kind-specific MLP on all tokens, then select per-token by kind.
    # Mathematically identical to the torch masked-scatter loop (each token has
    # exactly one kind, and `out` starts from zeros).
    h = jnp.einsum('tf,kfd->ktd', vals_ff, W1) + b1[:, None, :]
    h = jax.nn.gelu(h, approximate=False)
    o = jnp.einsum('ktd,kde->kte', h, W2) + b2[:, None, :]  # [K, T, d]
    kflat = kinds.reshape(-1)
    sel = jnp.take_along_axis(o.transpose(1, 0, 2), kflat[:, None, None], axis=1)[:, 0, :]  # [T, d]
    out = sel.reshape(N, S, d_model) + jnp.take(kind_emb, kinds, axis=0)
    return out

if __name__ == "__main__":
    import jax
    _d = setup_inputs()
    print(jax.jit(kernel)(*tuple(_d.values())))

</pallas_src>

<mosaic_0001>
#map = affine_map<(d0, d1) -> (0, 0)>
#map1 = affine_map<(d0, d1) -> (0)>
module attributes {stable_mosaic.version = 14 : i64} {
  func.func @gather_rows(%arg0: i32, %arg1: i32, %arg2: memref<7680x1024xf32, #tpu.memory_space<hbm>>, %arg3: memref<4096xi32, #tpu.memory_space<hbm>>, %arg4: memref<4096x1024xf32, #tpu.memory_space<hbm>>, %arg5: memref<32xi32, #tpu.memory_space<vmem>>, %arg6: memref<32xi32, #tpu.memory_space<vmem>>, %arg7: memref<32x1024xf32, #tpu.memory_space<vmem>>, %arg8: memref<32x1024xf32, #tpu.memory_space<vmem>>, %arg9: memref<!tpu.dma_semaphore, #tpu.memory_space<semaphore_mem>>, %arg10: memref<!tpu.dma_semaphore, #tpu.memory_space<semaphore_mem>>, %arg11: memref<!tpu.dma_semaphore, #tpu.memory_space<semaphore_mem>>, %arg12: memref<!tpu.dma_semaphore, #tpu.memory_space<semaphore_mem>>, %arg13: memref<!tpu.dma_semaphore, #tpu.memory_space<semaphore_mem>>, %arg14: memref<!tpu.dma_semaphore, #tpu.memory_space<semaphore_mem>>) attributes {dimension_semantics = [#tpu.dimension_semantics<core_parallel>, #tpu.dimension_semantics<subcore_parallel>], iteration_bounds = array<i64: 2, 16>, scalar_prefetch = 0 : i64, scratch_operands = 10 : i64, tpu.core_type = #tpu.core_type<sc_vector_subcore>, window_params = [{transform_indices = #map}, {transform_indices = #map1}, {transform_indices = #map}]} {
    %mul3A = arith.constant 2 : i32
    %mul3A_0 = arith.muli %arg1, %mul3A : i32
    %add3A = arith.addi %mul3A_0, %arg0 : i32
    %mul3A_1 = arith.constant 128 : i32
    %mul3A_2 = arith.muli %add3A, %mul3A_1 : i32
    %dma_start3A = tpu.memref_slice %arg3[%mul3A_2] : memref<4096xi32, #tpu.memory_space<hbm>> -> memref<32xi32, #tpu.memory_space<hbm>>
    %dma_start3A_3 = tpu.memref_slice %arg3[%mul3A_2] : memref<4096xi32, #tpu.memory_space<hbm>> -> memref<32xi32, #tpu.memory_space<hbm>>
    tpu.enqueue_dma source(%dma_start3A_3 : memref<32xi32, #tpu.memory_space<hbm>>) target(%arg5 : memref<32xi32, #tpu.memory_space<vmem>>) target_semaphore(%arg9 : memref<!tpu.dma_semaphore, #tpu.memory_space<semaphore_mem>>)
    %add3A_4 = arith.constant 32 : i32
    %add3A_5 = arith.addi %mul3A_2, %add3A_4 : i32
    %dma_start3A_6 = tpu.memref_slice %arg3[%add3A_5] : memref<4096xi32, #tpu.memory_space<hbm>> -> memref<32xi32, #tpu.memory_space<hbm>>
    %dma_start3A_7 = tpu.memref_slice %arg3[%add3A_5] : memref<4096xi32, #tpu.memory_space<hbm>> -> memref<32xi32, #tpu.memory_space<hbm>>
    tpu.enqueue_dma source(%dma_start3A_7 : memref<32xi32, #tpu.memory_space<hbm>>) target(%arg6 : memref<32xi32, #tpu.memory_space<vmem>>) target_semaphore(%arg10 : memref<!tpu.dma_semaphore, #tpu.memory_space<semaphore_mem>>)
    %dma_wait3A = tpu.memref_slice %arg3[%mul3A_2] : memref<4096xi32, #tpu.memory_space<hbm>> -> memref<32xi32, #tpu.memory_space<hbm>>
    %dma_wait3A_8 = tpu.memref_slice %arg3[%mul3A_2] : memref<4096xi32, #tpu.memory_space<hbm>> -> memref<32xi32, #tpu.memory_space<hbm>>
    tpu.wait_dma2 semaphore(%arg9 : memref<!tpu.dma_semaphore, #tpu.memory_space<semaphore_mem>>) src(%dma_wait3A_8 : memref<32xi32, #tpu.memory_space<hbm>>) dst(%arg5 : memref<32xi32, #tpu.memory_space<vmem>>)
    %dma_start3A_9 = arith.constant 0 : i32
    %dma_start3A_10 = arith.constant 0 : i32
    %dma_start3A_11 = tpu.memref_slice %arg2[%dma_start3A_9, %dma_start3A_10] : memref<7680x1024xf32, #tpu.memory_space<hbm>> -> memref<7680x1024xf32, #tpu.memory_space<hbm>>
    tpu.enqueue_indirect_dma source(%dma_start3A_11 : memref<7680x1024xf32, #tpu.memory_space<hbm>>) target(%arg7 : memref<32x1024xf32, #tpu.memory_space<vmem>>) offsets(%arg5 : memref<32xi32, #tpu.memory_space<vmem>>) semaphore(%arg11 : memref<!tpu.dma_semaphore, #tpu.memory_space<semaphore_mem>>)
    %dma_wait3A_12 = arith.constant 0 : i32
    %dma_wait3A_13 = arith.constant 0 : i32
    %dma_wait3A_14 = tpu.memref_slice %arg2[%dma_wait3A_12, %dma_wait3A_13] : memref<7680x1024xf32, #tpu.memory_space<hbm>> -> memref<7680x1024xf32, #tpu.memory_space<hbm>>
    tpu.wait_indirect_dma semaphore(%arg11 : memref<!tpu.dma_semaphore, #tpu.memory_space<semaphore_mem>>) src(%dma_wait3A_14 : memref<7680x1024xf32, #tpu.memory_space<hbm>>) dst(%arg7 : memref<32x1024xf32, #tpu.memory_space<vmem>>)
    %add3A_15 = arith.constant 0 : i32
    %add3A_16 = arith.addi %mul3A_2, %add3A_15 : i32
    %dma_start3A_17 = arith.constant 0 : i32
    %dma_start3A_18 = tpu.memref_slice %arg4[%add3A_16, %dma_start3A_17] : memref<4096x1024xf32, #tpu.memory_space<hbm>> -> memref<32x1024xf32, #tpu.memory_space<hbm>>
    %dma_start3A_19 = arith.constant 0 : i32
    %dma_start3A_20 = tpu.memref_slice %arg4[%add3A_16, %dma_start3A_19] : memref<4096x1024xf32, #tpu.memory_space<hbm>> -> memref<32x1024xf32, #tpu.memory_space<hbm>>
    tpu.enqueue_dma source(%arg7 : memref<32x1024xf32, #tpu.memory_space<vmem>>) target(%dma_start3A_20 : memref<32x1024xf32, #tpu.memory_space<hbm>>) target_semaphore(%arg13 : memref<!tpu.dma_semaphore, #tpu.memory_space<semaphore_mem>>)
    %add3A_21 = arith.constant 64 : i32
    %add3A_22 = arith.addi %mul3A_2, %add3A_21 : i32
    %dma_start3A_23 = tpu.memref_slice %arg3[%add3A_22] : memref<4096xi32, #tpu.memory_space<hbm>> -> memref<32xi32, #tpu.memory_space<hbm>>
    %dma_start3A_24 = tpu.memref_slice %arg3[%add3A_22] : memref<4096xi32, #tpu.memory_space<hbm>> -> memref<32xi32, #tpu.memory_space<hbm>>
    tpu.enqueue_dma source(%dma_start3A_24 : memref<32xi32, #tpu.memory_space<hbm>>) target(%arg5 : memref<32xi32, #tpu.memory_space<vmem>>) target_semaphore(%arg9 : memref<!tpu.dma_semaphore, #tpu.memory_space<semaphore_mem>>)
    %dma_wait3A_25 = tpu.memref_slice %arg3[%add3A_5] : memref<4096xi32, #tpu.memory_space<hbm>> -> memref<32xi32, #tpu.memory_space<hbm>>
    %dma_wait3A_26 = tpu.memref_slice %arg3[%add3A_5] : memref<4096xi32, #tpu.memory_space<hbm>> -> memref<32xi32, #tpu.memory_space<hbm>>
    tpu.wait_dma2 semaphore(%arg10 : memref<!tpu.dma_semaphore, #tpu.memory_space<semaphore_mem>>) src(%dma_wait3A_26 : memref<32xi32, #tpu.memory_space<hbm>>) dst(%arg6 : memref<32xi32, #tpu.memory_space<vmem>>)
    %dma_start3A_27 = arith.constant 0 : i32
    %dma_start3A_28 = arith.constant 0 : i32
    %dma_start3A_29 = tpu.memref_slice %arg2[%dma_start3A_27, %dma_start3A_28] : memref<7680x1024xf32, #tpu.memory_space<hbm>> -> memref<7680x1024xf32, #tpu.memory_space<hbm>>
    tpu.enqueue_indirect_dma source(%dma_start3A_29 : memref<7680x1024xf32, #tpu.memory_space<hbm>>) target(%arg8 : memref<32x1024xf32, #tpu.memory_space<vmem>>) offsets(%arg6 : memref<32xi32, #tpu.memory_space<vmem>>) semaphore(%arg12 : memref<!tpu.dma_semaphore, #tpu.memory_space<semaphore_mem>>)
    %dma_wait3A_30 = arith.constant 0 : i32
    %dma_wait3A_31 = arith.constant 0 : i32
    %dma_wait3A_32 = tpu.memref_slice %arg2[%dma_wait3A_30, %dma_wait3A_31] : memref<7680x1024xf32, #tpu.memory_space<hbm>> -> memref<7680x1024xf32, #tpu.memory_space<hbm>>
    tpu.wait_indirect_dma semaphore(%arg12 : memref<!tpu.dma_semaphore, #tpu.memory_space<semaphore_mem>>) src(%dma_wait3A_32 : memref<7680x1024xf32, #tpu.memory_space<hbm>>) dst(%arg8 : memref<32x1024xf32, #tpu.memory_space<vmem>>)
    %add3A_33 = arith.constant 32 : i32
    %add3A_34 = arith.addi %mul3A_2, %add3A_33 : i32
    %dma_start3A_35 = arith.constant 0 : i32
    %dma_start3A_36 = tpu.memref_slice %arg4[%add3A_34, %dma_start3A_35] : memref<4096x1024xf32, #tpu.memory_space<hbm>> -> memref<32x1024xf32, #tpu.memory_space<hbm>>
    %dma_start3A_37 = arith.constant 0 : i32
    %dma_start3A_38 = tpu.memref_slice %arg4[%add3A_34, %dma_start3A_37] : memref<4096x1024xf32, #tpu.memory_space<hbm>> -> memref<32x1024xf32, #tpu.memory_space<hbm>>
    tpu.enqueue_dma source(%arg8 : memref<32x1024xf32, #tpu.memory_space<vmem>>) target(%dma_start3A_38 : memref<32x1024xf32, #tpu.memory_space<hbm>>) target_semaphore(%arg14 : memref<!tpu.dma_semaphore, #tpu.memory_space<semaphore_mem>>)
    %add3A_39 = arith.constant 96 : i32
    %add3A_40 = arith.addi %mul3A_2, %add3A_39 : i32
    %dma_start3A_41 = tpu.memref_slice %arg3[%add3A_40] : memref<4096xi32, #tpu.memory_space<hbm>> -> memref<32xi32, #tpu.memory_space<hbm>>
    %dma_start3A_42 = tpu.memref_slice %arg3[%add3A_40] : memref<4096xi32, #tpu.memory_space<hbm>> -> memref<32xi32, #tpu.memory_space<hbm>>
    tpu.enqueue_dma source(%dma_start3A_42 : memref<32xi32, #tpu.memory_space<hbm>>) target(%arg6 : memref<32xi32, #tpu.memory_space<vmem>>) target_semaphore(%arg10 : memref<!tpu.dma_semaphore, #tpu.memory_space<semaphore_mem>>)
    %dma_wait3A_43 = tpu.memref_slice %arg3[%add3A_22] : memref<4096xi32, #tpu.memory_space<hbm>> -> memref<32xi32, #tpu.memory_space<hbm>>
    %dma_wait3A_44 = tpu.memref_slice %arg3[%add3A_22] : memref<4096xi32, #tpu.memory_space<hbm>> -> memref<32xi32, #tpu.memory_space<hbm>>
    tpu.wait_dma2 semaphore(%arg9 : memref<!tpu.dma_semaphore, #tpu.memory_space<semaphore_mem>>) src(%dma_wait3A_44 : memref<32xi32, #tpu.memory_space<hbm>>) dst(%arg5 : memref<32xi32, #tpu.memory_space<vmem>>)
    %dma_wait3A_45 = arith.constant 0 : i32
    %dma_wait3A_46 = tpu.memref_slice %arg4[%add3A_16, %dma_wait3A_45] : memref<4096x1024xf32, #tpu.memory_space<hbm>> -> memref<32x1024xf32, #tpu.memory_space<hbm>>
    %dma_wait3A_47 = arith.constant 0 : i32
    %dma_wait3A_48 = tpu.memref_slice %arg4[%add3A_16, %dma_wait3A_47] : memref<4096x1024xf32, #tpu.memory_space<hbm>> -> memref<32x1024xf32, #tpu.memory_space<hbm>>
    tpu.wait_dma2 semaphore(%arg13 : memref<!tpu.dma_semaphore, #tpu.memory_space<semaphore_mem>>) src(%arg7 : memref<32x1024xf32, #tpu.memory_space<vmem>>) dst(%dma_wait3A_48 : memref<32x1024xf32, #tpu.memory_space<hbm>>)
    %dma_start3A_49 = arith.constant 0 : i32
    %dma_start3A_50 = arith.constant 0 : i32
    %dma_start3A_51 = tpu.memref_slice %arg2[%dma_start3A_49, %dma_start3A_50] : memref<7680x1024xf32, #tpu.memory_space<hbm>> -> memref<7680x1024xf32, #tpu.memory_space<hbm>>
    tpu.enqueue_indirect_dma source(%dma_start3A_51 : memref<7680x1024xf32, #tpu.memory_space<hbm>>) target(%arg7 : memref<32x1024xf32, #tpu.memory_space<vmem>>) offsets(%arg5 : memref<32xi32, #tpu.memory_space<vmem>>) semaphore(%arg11 : memref<!tpu.dma_semaphore, #tpu.memory_space<semaphore_mem>>)
    %dma_wait3A_52 = arith.constant 0 : i32
    %dma_wait3A_53 = arith.constant 0 : i32
    %dma_wait3A_54 = tpu.memref_slice %arg2[%dma_wait3A_52, %dma_wait3A_53] : memref<7680x1024xf32, #tpu.memory_space<hbm>> -> memref<7680x1024xf32, #tpu.memory_space<hbm>>
    tpu.wait_indirect_dma semaphore(%arg11 : memref<!tpu.dma_semaphore, #tpu.memory_space<semaphore_mem>>) src(%dma_wait3A_54 : memref<7680x1024xf32, #tpu.memory_space<hbm>>) dst(%arg7 : memref<32x1024xf32, #tpu.memory_space<vmem>>)
    %add3A_55 = arith.constant 64 : i32
    %add3A_56 = arith.addi %mul3A_2, %add3A_55 : i32
    %dma_start3A_57 = arith.constant 0 : i32
    %dma_start3A_58 = tpu.memref_slice %arg4[%add3A_56, %dma_start3A_57] : memref<4096x1024xf32, #tpu.memory_space<hbm>> -> memref<32x1024xf32, #tpu.memory_space<hbm>>
    %dma_start3A_59 = arith.constant 0 : i32
    %dma_start3A_60 = tpu.memref_slice %arg4[%add3A_56, %dma_start3A_59] : memref<4096x1024xf32, #tpu.memory_space<hbm>> -> memref<32x1024xf32, #tpu.memory_space<hbm>>
    tpu.enqueue_dma source(%arg7 : memref<32x1024xf32, #tpu.memory_space<vmem>>) target(%dma_start3A_60 : memref<32x1024xf32, #tpu.memory_space<hbm>>) target_semaphore(%arg13 : memref<!tpu.dma_semaphore, #tpu.memory_space<semaphore_mem>>)
    %dma_wait3A_61 = tpu.memref_slice %arg3[%add3A_40] : memref<4096xi32, #tpu.memory_space<hbm>> -> memref<32xi32, #tpu.memory_space<hbm>>
    %dma_wait3A_62 = tpu.memref_slice %arg3[%add3A_40] : memref<4096xi32, #tpu.memory_space<hbm>> -> memref<32xi32, #tpu.memory_space<hbm>>
    tpu.wait_dma2 semaphore(%arg10 : memref<!tpu.dma_semaphore, #tpu.memory_space<semaphore_mem>>) src(%dma_wait3A_62 : memref<32xi32, #tpu.memory_space<hbm>>) dst(%arg6 : memref<32xi32, #tpu.memory_space<vmem>>)
    %dma_wait3A_63 = arith.constant 0 : i32
    %dma_wait3A_64 = tpu.memref_slice %arg4[%add3A_34, %dma_wait3A_63] : memref<4096x1024xf32, #tpu.memory_space<hbm>> -> memref<32x1024xf32, #tpu.memory_space<hbm>>
    %dma_wait3A_65 = arith.constant 0 : i32
    %dma_wait3A_66 = tpu.memref_slice %arg4[%add3A_34, %dma_wait3A_65] : memref<4096x1024xf32, #tpu.memory_space<hbm>> -> memref<32x1024xf32, #tpu.memory_space<hbm>>
    tpu.wait_dma2 semaphore(%arg14 : memref<!tpu.dma_semaphore, #tpu.memory_space<semaphore_mem>>) src(%arg8 : memref<32x1024xf32, #tpu.memory_space<vmem>>) dst(%dma_wait3A_66 : memref<32x1024xf32, #tpu.memory_space<hbm>>)
    %dma_start3A_67 = arith.constant 0 : i32
    %dma_start3A_68 = arith.constant 0 : i32
    %dma_start3A_69 = tpu.memref_slice %arg2[%dma_start3A_67, %dma_start3A_68] : memref<7680x1024xf32, #tpu.memory_space<hbm>> -> memref<7680x1024xf32, #tpu.memory_space<hbm>>
    tpu.enqueue_indirect_dma source(%dma_start3A_69 : memref<7680x1024xf32, #tpu.memory_space<hbm>>) target(%arg8 : memref<32x1024xf32, #tpu.memory_space<vmem>>) offsets(%arg6 : memref<32xi32, #tpu.memory_space<vmem>>) semaphore(%arg12 : memref<!tpu.dma_semaphore, #tpu.memory_space<semaphore_mem>>)
    %dma_wait3A_70 = arith.constant 0 : i32
    %dma_wait3A_71 = arith.constant 0 : i32
    %dma_wait3A_72 = tpu.memref_slice %arg2[%dma_wait3A_70, %dma_wait3A_71] : memref<7680x1024xf32, #tpu.memory_space<hbm>> -> memref<7680x1024xf32, #tpu.memory_space<hbm>>
    tpu.wait_indirect_dma semaphore(%arg12 : memref<!tpu.dma_semaphore, #tpu.memory_space<semaphore_mem>>) src(%dma_wait3A_72 : memref<7680x1024xf32, #tpu.memory_space<hbm>>) dst(%arg8 : memref<32x1024xf32, #tpu.memory_space<vmem>>)
    %add3A_73 = arith.constant 96 : i32
    %add3A_74 = arith.addi %mul3A_2, %add3A_73 : i32
    %dma_start3A_75 = arith.constant 0 : i32
    %dma_start3A_76 = tpu.memref_slice %arg4[%add3A_74, %dma_start3A_75] : memref<4096x1024xf32, #tpu.memory_space<hbm>> -> memref<32x1024xf32, #tpu.memory_space<hbm>>
    %dma_start3A_77 = arith.constant 0 : i32
    %dma_start3A_78 = tpu.memref_slice %arg4[%add3A_74, %dma_start3A_77] : memref<4096x1024xf32, #tpu.memory_space<hbm>> -> memref<32x1024xf32, #tpu.memory_space<hbm>>
    tpu.enqueue_dma source(%arg8 : memref<32x1024xf32, #tpu.memory_space<vmem>>) target(%dma_start3A_78 : memref<32x1024xf32, #tpu.memory_space<hbm>>) target_semaphore(%arg14 : memref<!tpu.dma_semaphore, #tpu.memory_space<semaphore_mem>>)
    %dma_wait3A_79 = arith.constant 0 : i32
    %dma_wait3A_80 = tpu.memref_slice %arg4[%add3A_56, %dma_wait3A_79] : memref<4096x1024xf32, #tpu.memory_space<hbm>> -> memref<32x1024xf32, #tpu.memory_space<hbm>>
    %dma_wait3A_81 = arith.constant 0 : i32
    %dma_wait3A_82 = tpu.memref_slice %arg4[%add3A_56, %dma_wait3A_81] : memref<4096x1024xf32, #tpu.memory_space<hbm>> -> memref<32x1024xf32, #tpu.memory_space<hbm>>
    tpu.wait_dma2 semaphore(%arg13 : memref<!tpu.dma_semaphore, #tpu.memory_space<semaphore_mem>>) src(%arg7 : memref<32x1024xf32, #tpu.memory_space<vmem>>) dst(%dma_wait3A_82 : memref<32x1024xf32, #tpu.memory_space<hbm>>)
    %dma_wait3A_83 = arith.constant 0 : i32
    %dma_wait3A_84 = tpu.memref_slice %arg4[%add3A_74, %dma_wait3A_83] : memref<4096x1024xf32, #tpu.memory_space<hbm>> -> memref<32x1024xf32, #tpu.memory_space<hbm>>
    %dma_wait3A_85 = arith.constant 0 : i32
    %dma_wait3A_86 = tpu.memref_slice %arg4[%add3A_74, %dma_wait3A_85] : memref<4096x1024xf32, #tpu.memory_space<hbm>> -> memref<32x1024xf32, #tpu.memory_space<hbm>>
    tpu.wait_dma2 semaphore(%arg14 : memref<!tpu.dma_semaphore, #tpu.memory_space<semaphore_mem>>) src(%arg8 : memref<32x1024xf32, #tpu.memory_space<vmem>>) dst(%dma_wait3A_86 : memref<32x1024xf32, #tpu.memory_space<hbm>>)
    return
  }
}

#map = affine_map<(d0, d1) -> (0, 0)>
module attributes {stable_mosaic.version = 14 : i64} {
  func.func @scatter_vals(%arg0: i32, %arg1: i32, %arg2: memref<32x128xf32, #tpu.memory_space<hbm>>, %arg3: memref<32x128xi32, #tpu.memory_space<hbm>>, %arg4: memref<2x7680xf32, #tpu.memory_space<hbm>>, %arg5: memref<128xi32, #tpu.memory_space<vmem>>, %arg6: memref<128xf32, #tpu.memory_space<vmem>>, %arg7: memref<480xf32, #tpu.memory_space<vmem>>, %arg8: memref<7680xf32, #tpu.memory_space<vmem_shared>>) attributes {dimension_semantics = [#tpu.dimension_semantics<core_parallel>, #tpu.dimension_semantics<subcore_parallel>], iteration_bounds = array<i64: 2, 16>, scalar_prefetch = 0 : i64, scratch_operands = 4 : i64, tpu.core_type = #tpu.core_type<sc_vector_subcore>, window_params = [{transform_indices = #map}, {transform_indices = #map}, {transform_indices = #map}]} {
    %mul3A = arith.constant 2 : i32
    %mul3A_0 = arith.muli %arg1, %mul3A : i32
    %add3A = arith.addi %mul3A_0, %arg0 : i32
    %scan3A = arith.constant 0 : i32
    %scan3A_1 = arith.constant 0 : i32
    %scan3A_2 = arith.constant 30 : i32
    %scan3A_3 = arith.addi %scan3A_1, %scan3A_2 : i32
    %scan3A_4 = arith.constant 1 : i32
    scf.for %scan3A_11 = %scan3A_1 to %scan3A_3 step %scan3A_4  : i32 {
      %broadcast_in_dim3A = arith.constant 0.000000e+00 : f32
      %broadcast_in_dim3A_12 = vector.broadcast %broadcast_in_dim3A : f32 to vector<16xf32>
      %mul3A_13 = arith.constant 16 : i32
      %mul3A_14 = arith.muli %scan3A_11, %mul3A_13 : i32
      %swap3A = arith.index_cast %mul3A_14 : i32 to index
      %swap3A_15 = tpu.vector_load %arg7[%swap3A] {strides = array<i32>} : memref<480xf32, #tpu.memory_space<vmem>>, vector<16xf32>,
      %swap3A_16 = vector.shape_cast %swap3A_15 : vector<16xf32> to vector<16xf32>
      %swap3A_17 = vector.shape_cast %broadcast_in_dim3A_12 : vector<16xf32> to vector<16xf32>
      tpu.vector_store %arg7[%swap3A], %swap3A_17 {strides = array<i32>} : memref<480xf32, #tpu.memory_space<vmem>>, vector<16xf32>,
    }
    %scan3A_5 = arith.constant 30 : i32
    %mul3A_6 = arith.constant 480 : i32
    %mul3A_7 = arith.muli %arg1, %mul3A_6 : i32
    "tpu.region"() ({
      %run_scoped3A = tpu.sem_alloc : memref<!tpu.dma_semaphore, #tpu.memory_space<semaphore_mem>>
      %dma_start3A = tpu.memref_slice %arg8[%mul3A_7] : memref<7680xf32, #tpu.memory_space<vmem_shared>> -> memref<480xf32, #tpu.memory_space<vmem_shared>>
      %dma_start3A_11 = tpu.memref_slice %arg8[%mul3A_7] : memref<7680xf32, #tpu.memory_space<vmem_shared>> -> memref<480xf32, #tpu.memory_space<vmem_shared>>
      tpu.enqueue_dma source(%arg7 : memref<480xf32, #tpu.memory_space<vmem>>) target(%dma_start3A_11 : memref<480xf32, #tpu.memory_space<vmem_shared>>) target_semaphore(%run_scoped3A : memref<!tpu.dma_semaphore, #tpu.memory_space<semaphore_mem>>)
      %dma_wait3A = tpu.memref_slice %arg8[%mul3A_7] : memref<7680xf32, #tpu.memory_space<vmem_shared>> -> memref<480xf32, #tpu.memory_space<vmem_shared>>
      %dma_wait3A_12 = tpu.memref_slice %arg8[%mul3A_7] : memref<7680xf32, #tpu.memory_space<vmem_shared>> -> memref<480xf32, #tpu.memory_space<vmem_shared>>
      tpu.wait_dma2 semaphore(%run_scoped3A : memref<!tpu.dma_semaphore, #tpu.memory_space<semaphore_mem>>) src(%arg7 : memref<480xf32, #tpu.memory_space<vmem>>) dst(%dma_wait3A_12 : memref<480xf32, #tpu.memory_space<vmem_shared>>)
      tpu.yield
    }) : () -> ()
    "tpu.region"() ({
      %run_scoped3A = tpu.sem_alloc : memref<!tpu.dma_semaphore, #tpu.memory_space<semaphore_mem>>
      %dma_start3A = arith.constant 0 : i32
      %dma_start3A_11 = tpu.memref_slice %arg3[%add3A, %dma_start3A] : memref<32x128xi32, #tpu.memory_space<hbm>> -> memref<1x128xi32, #tpu.memory_space<hbm>>
      %dma_start3A_12 = tpu.memref_squeeze %dma_start3A_11 : memref<1x128xi32, #tpu.memory_space<hbm>> -> memref<128xi32, #tpu.memory_space<hbm>>
      %dma_start3A_13 = arith.constant 0 : i32
      %dma_start3A_14 = tpu.memref_slice %arg3[%add3A, %dma_start3A_13] : memref<32x128xi32, #tpu.memory_space<hbm>> -> memref<1x128xi32, #tpu.memory_space<hbm>>
      %dma_start3A_15 = tpu.memref_squeeze %dma_start3A_14 : memref<1x128xi32, #tpu.memory_space<hbm>> -> memref<128xi32, #tpu.memory_space<hbm>>
      tpu.enqueue_dma source(%dma_start3A_15 : memref<128xi32, #tpu.memory_space<hbm>>) target(%arg5 : memref<128xi32, #tpu.memory_space<vmem>>) target_semaphore(%run_scoped3A : memref<!tpu.dma_semaphore, #tpu.memory_space<semaphore_mem>>)
      %dma_wait3A = arith.constant 0 : i32
      %dma_wait3A_16 = tpu.memref_slice %arg3[%add3A, %dma_wait3A] : memref<32x128xi32, #tpu.memory_space<hbm>> -> memref<1x128xi32, #tpu.memory_space<hbm>>
      %dma_wait3A_17 = tpu.memref_squeeze %dma_wait3A_16 : memref<1x128xi32, #tpu.memory_space<hbm>> -> memref<128xi32, #tpu.memory_space<hbm>>
      %dma_wait3A_18 = arith.constant 0 : i32
      %dma_wait3A_19 = tpu.memref_slice %arg3[%add3A, %dma_wait3A_18] : memref<32x128xi32, #tpu.memory_space<hbm>> -> memref<1x128xi32, #tpu.memory_space<hbm>>
      %dma_wait3A_20 = tpu.memref_squeeze %dma_wait3A_19 : memref<1x128xi32, #tpu.memory_space<hbm>> -> memref<128xi32, #tpu.memory_space<hbm>>
      tpu.wait_dma2 semaphore(%run_scoped3A : memref<!tpu.dma_semaphore, #tpu.memory_space<semaphore_mem>>) src(%dma_wait3A_20 : memref<128xi32, #tpu.memory_space<hbm>>) dst(%arg5 : memref<128xi32, #tpu.memory_space<vmem>>)
      tpu.yield
    }) : () -> ()
    "tpu.region"() ({
      %run_scoped3A = tpu.sem_alloc : memref<!tpu.dma_semaphore, #tpu.memory_space<semaphore_mem>>
      %dma_start3A = arith.constant 0 : i32
      %dma_start3A_11 = tpu.memref_slice %arg2[%add3A, %dma_start3A] : memref<32x128xf32, #tpu.memory_space<hbm>> -> memref<1x128xf32, #tpu.memory_space<hbm>>
      %dma_start3A_12 = tpu.memref_squeeze %dma_start3A_11 : memref<1x128xf32, #tpu.memory_space<hbm>> -> memref<128xf32, #tpu.memory_space<hbm>>
      %dma_start3A_13 = arith.constant 0 : i32
      %dma_start3A_14 = tpu.memref_slice %arg2[%add3A, %dma_start3A_13] : memref<32x128xf32, #tpu.memory_space<hbm>> -> memref<1x128xf32, #tpu.memory_space<hbm>>
      %dma_start3A_15 = tpu.memref_squeeze %dma_start3A_14 : memref<1x128xf32, #tpu.memory_space<hbm>> -> memref<128xf32, #tpu.memory_space<hbm>>
      tpu.enqueue_dma source(%dma_start3A_15 : memref<128xf32, #tpu.memory_space<hbm>>) target(%arg6 : memref<128xf32, #tpu.memory_space<vmem>>) target_semaphore(%run_scoped3A : memref<!tpu.dma_semaphore, #tpu.memory_space<semaphore_mem>>)
      %dma_wait3A = arith.constant 0 : i32
      %dma_wait3A_16 = tpu.memref_slice %arg2[%add3A, %dma_wait3A] : memref<32x128xf32, #tpu.memory_space<hbm>> -> memref<1x128xf32, #tpu.memory_space<hbm>>
      %dma_wait3A_17 = tpu.memref_squeeze %dma_wait3A_16 : memref<1x128xf32, #tpu.memory_space<hbm>> -> memref<128xf32, #tpu.memory_space<hbm>>
      %dma_wait3A_18 = arith.constant 0 : i32
      %dma_wait3A_19 = tpu.memref_slice %arg2[%add3A, %dma_wait3A_18] : memref<32x128xf32, #tpu.memory_space<hbm>> -> memref<1x128xf32, #tpu.memory_space<hbm>>
      %dma_wait3A_20 = tpu.memref_squeeze %dma_wait3A_19 : memref<1x128xf32, #tpu.memory_space<hbm>> -> memref<128xf32, #tpu.memory_space<hbm>>
      tpu.wait_dma2 semaphore(%run_scoped3A : memref<!tpu.dma_semaphore, #tpu.memory_space<semaphore_mem>>) src(%dma_wait3A_20 : memref<128xf32, #tpu.memory_space<hbm>>) dst(%arg6 : memref<128xf32, #tpu.memory_space<vmem>>)
      tpu.yield
    }) : () -> ()
    %barrier3A = arith.constant 0 : index
    tpu.barrier barrier_id(%barrier3A)
    "tpu.region"() ({
      %run_scoped3A = tpu.sem_alloc : memref<!tpu.dma_semaphore, #tpu.memory_space<semaphore_mem>>
      %dma_start3A = arith.constant 0 : i32
      %dma_start3A_11 = tpu.memref_slice %arg8[%dma_start3A] : memref<7680xf32, #tpu.memory_space<vmem_shared>> -> memref<7680xf32, #tpu.memory_space<vmem_shared>>
      tpu.enqueue_indirect_dma source(%arg6 : memref<128xf32, #tpu.memory_space<vmem>>) target(%dma_start3A_11 : memref<7680xf32, #tpu.memory_space<vmem_shared>>) offsets(%arg5 : memref<128xi32, #tpu.memory_space<vmem>>) semaphore(%run_scoped3A : memref<!tpu.dma_semaphore, #tpu.memory_space<semaphore_mem>>)
      %dma_wait3A = arith.constant 0 : i32
      %dma_wait3A_12 = tpu.memref_slice %arg8[%dma_wait3A] : memref<7680xf32, #tpu.memory_space<vmem_shared>> -> memref<7680xf32, #tpu.memory_space<vmem_shared>>
      tpu.wait_indirect_dma semaphore(%run_scoped3A : memref<!tpu.dma_semaphore, #tpu.memory_space<semaphore_mem>>) src(%arg6 : memref<128xf32, #tpu.memory_space<vmem>>) dst(%dma_wait3A_12 : memref<7680xf32, #tpu.memory_space<vmem_shared>>)
      tpu.yield
    }) : () -> ()
    %barrier3A_8 = arith.constant 0 : index
    tpu.barrier barrier_id(%barrier3A_8)
    %eq3A = arith.constant 0 : i32
    %eq3A_9 = arith.cmpi eq, %arg1, %eq3A : i32
    %convert_element_type3A = arith.extui %eq3A_9 : i1 to i32
    %cond3A = arith.constant 0 : i32
    %cond3A_10 = arith.cmpi ne, %convert_element_type3A, %cond3A : i32
    scf.if %cond3A_10 {
      "tpu.region"() ({
        %run_scoped3A = tpu.sem_alloc : memref<!tpu.dma_semaphore, #tpu.memory_space<semaphore_mem>>
        %dma_start3A = arith.constant 0 : i32
        %dma_start3A_11 = tpu.memref_slice %arg4[%arg0, %dma_start3A] : memref<2x7680xf32, #tpu.memory_space<hbm>> -> memref<1x7680xf32, #tpu.memory_space<hbm>>
        %dma_start3A_12 = tpu.memref_squeeze %dma_start3A_11 : memref<1x7680xf32, #tpu.memory_space<hbm>> -> memref<7680xf32, #tpu.memory_space<hbm>>
        tpu.enqueue_dma source(%arg8 : memref<7680xf32, #tpu.memory_space<vmem_shared>>) target(%dma_start3A_12 : memref<7680xf32, #tpu.memory_space<hbm>>) target_semaphore(%run_scoped3A : memref<!tpu.dma_semaphore, #tpu.memory_space<semaphore_mem>>)
        %dma_wait3A = arith.constant 0 : i32
        %dma_wait3A_13 = tpu.memref_slice %arg4[%arg0, %dma_wait3A] : memref<2x7680xf32, #tpu.memory_space<hbm>> -> memref<1x7680xf32, #tpu.memory_space<hbm>>
        %dma_wait3A_14 = tpu.memref_squeeze %dma_wait3A_13 : memref<1x7680xf32, #tpu.memory_space<hbm>> -> memref<7680xf32, #tpu.memory_space<hbm>>
        tpu.wait_dma2 semaphore(%run_scoped3A : memref<!tpu.dma_semaphore, #tpu.memory_space<semaphore_mem>>) src(%arg8 : memref<7680xf32, #tpu.memory_space<vmem_shared>>) dst(%dma_wait3A_14 : memref<7680xf32, #tpu.memory_space<hbm>>)
        tpu.yield
      }) : () -> ()
    } else {
    }
    return
  }
}

module attributes {stable_mosaic.version = 14 : i64} {
  func.func @_routing_body(%arg0: i32, %arg1: memref<32x128xi32, #tpu.memory_space<vmem>>, %arg2: memref<32x128xi32, #tpu.memory_space<vmem>>, %arg3: memref<1x128xi32, #tpu.memory_space<vmem>>) attributes {dimension_semantics = [#tpu.dimension_semantics<arbitrary>], iteration_bounds = array<i64: 1>, scalar_prefetch = 0 : i64, scratch_operands = 0 : i64, tpu.core_type = #tpu.core_type<tc>, window_params = [{pipeline_mode = #tpu.pipeline_mode<synchronous>, transform_indices = @transform_0, window_bounds = array<i64: 32, 128>}, {pipeline_mode = #tpu.pipeline_mode<synchronous>, transform_indices = @transform_1, window_bounds = array<i64: 32, 128>}, {pipeline_mode = #tpu.pipeline_mode<synchronous>, transform_indices = @transform_2, window_bounds = array<i64: 1, 128>}]} {
    %get3A = arith.constant 0 : index
    %get3A_0 = arith.constant 0 : index
    %get3A_1 = vector.load %arg1[%get3A, %get3A_0] : memref<32x128xi32, #tpu.memory_space<vmem>>, vector<32x128xi32>
    %iota3A = tpu.iota {dimensions = array<i32: 0>} : vector<128x128xi32>
    %iota3A_2 = tpu.iota {dimensions = array<i32: 1>} : vector<128x128xi32>
    %le3A = arith.cmpi sle, %iota3A, %iota3A_2 : vector<128x128xi32>
    %convert_element_type3A = arith.extui %le3A : vector<128x128xi1> to vector<128x128xi32>
    %convert_element_type3A_3 = arith.sitofp %convert_element_type3A : vector<128x128xi32> to vector<128x128xf32>
    %iota3A_4 = tpu.iota {dimensions = array<i32: 0>} : vector<32x32xi32>
    %iota3A_5 = tpu.iota {dimensions = array<i32: 1>} : vector<32x32xi32>
    %lt3A = arith.cmpi slt, %iota3A_5, %iota3A_4 : vector<32x32xi32>
    %convert_element_type3A_6 = arith.extui %lt3A : vector<32x32xi1> to vector<32x32xi32>
    %convert_element_type3A_7 = arith.sitofp %convert_element_type3A_6 : vector<32x32xi32> to vector<32x32xf32>
    %broadcast_in_dim3A = arith.constant 0 : i32
    %broadcast_in_dim3A_8 = vector.broadcast %broadcast_in_dim3A : i32 to vector<32x128xi32>
    %eq3A = arith.constant 0 : i32
    %eq3A_9 = vector.broadcast %eq3A : i32 to vector<32x128xi32>
    %eq3A_10 = arith.cmpi eq, %get3A_1, %eq3A_9 : vector<32x128xi32>
    %convert_element_type3A_11 = arith.extui %eq3A_10 : vector<32x128xi1> to vector<32x128xi32>
    %convert_element_type3A_12 = arith.sitofp %convert_element_type3A_11 : vector<32x128xi32> to vector<32x128xf32>
    %dot_general3A = arith.constant dense<0.000000e+00> : vector<32x128xf32>
    %dot_general3A_13 = tpu.matmul %convert_element_type3A_12, %convert_element_type3A_3, %dot_general3A {dimension_numbers = #tpu.dot_dimension_numbers<[1], [0], [0], [1], [0, 0, 1, 1], [], []>, transpose_lhs_hint = false} : vector<32x128xf32>, vector<128x128xf32>, vector<32x128xf32> -> vector<32x128xf32>
    %slice3A = vector.extract_strided_slice %dot_general3A_13 {offsets = [0, 127], sizes = [32, 1], strides = [1, 1]} : vector<32x128xf32> to vector<32x1xf32>
    %dot_general3A_14 = arith.constant dense<0.000000e+00> : vector<32x1xf32>
    %dot_general3A_15 = tpu.matmul %convert_element_type3A_7, %slice3A, %dot_general3A_14 {dimension_numbers = #tpu.dot_dimension_numbers<[1], [0], [0], [1], [0, 0, 1, 1], [], []>, transpose_lhs_hint = false} : vector<32x32xf32>, vector<32x1xf32>, vector<32x1xf32> -> vector<32x1xf32>
    %sub3A = arith.constant 1.000000e+00 : f32
    %sub3A_16 = vector.broadcast %sub3A : f32 to vector<32x128xf32>
    %sub3A_17 = arith.subf %dot_general3A_13, %sub3A_16 : vector<32x128xf32>
    %add3A = vector.broadcast %dot_general3A_15 : vector<32x1xf32> to vector<32x128xf32>
    %add3A_18 = arith.addf %sub3A_17, %add3A : vector<32x128xf32>
    %convert_element_type3A_19 = arith.fptosi %add3A_18 : vector<32x128xf32> to vector<32x128xi32>
    %reduce_sum3A = vector.shape_cast %convert_element_type3A_12 : vector<32x128xf32> to vector<1x32x128xf32>
    %reduce_sum3A_20 = arith.constant dense<0.000000e+00> : vector<1xf32>
    %reduce_sum3A_21 = vector.multi_reduction <add>, %reduce_sum3A, %reduce_sum3A_20 [1, 2] : vector<1x32x128xf32> to vector<1xf32>
    %reduce_sum3A_22 = vector.shape_cast %reduce_sum3A_21 : vector<1xf32> to vector<1x1x1xf32>
    %reduce_sum3A_23 = vector.extract %reduce_sum3A_22[0, 0, 0] : f32 from vector<1x1x1xf32>
    %convert_element_type3A_24 = arith.fptosi %reduce_sum3A_23 : f32 to i32
    %add3A_25 = arith.constant 511 : i32
    %add3A_26 = arith.addi %convert_element_type3A_24, %add3A_25 : i32
    %jit3A = arith.constant 512 : i32
    %div3A = arith.divsi %add3A_26, %jit3A : i32
    %sign3A = arith.constant 0 : i32
    %sign3A_27 = arith.cmpi sgt, %add3A_26, %sign3A : i32
    %sign3A_28 = arith.extui %sign3A_27 : i1 to i32
    %sign3A_29 = arith.constant 0 : i32
    %sign3A_30 = arith.cmpi slt, %add3A_26, %sign3A_29 : i32
    %sign3A_31 = arith.extui %sign3A_30 : i1 to i32
    %sign3A_32 = arith.subi %sign3A_28, %sign3A_31 : i32
    %sign3A_33 = arith.constant 0 : i32
    %sign3A_34 = arith.cmpi sgt, %jit3A, %sign3A_33 : i32
    %sign3A_35 = arith.extui %sign3A_34 : i1 to i32
    %sign3A_36 = arith.constant 0 : i32
    %sign3A_37 = arith.cmpi slt, %jit3A, %sign3A_36 : i32
    %sign3A_38 = arith.extui %sign3A_37 : i1 to i32
    %sign3A_39 = arith.subi %sign3A_35, %sign3A_38 : i32
    %ne3A = arith.cmpi ne, %sign3A_32, %sign3A_39 : i32
    %rem3A = arith.remsi %add3A_26, %jit3A : i32
    %ne3A_40 = arith.constant 0 : i32
    %ne3A_41 = arith.cmpi ne, %rem3A, %ne3A_40 : i32
    %and3A = arith.andi %ne3A, %ne3A_41 : i1
    %sub3A_42 = arith.constant 1 : i32
    %sub3A_43 = arith.subi %div3A, %sub3A_42 : i32
    %select_n3A = arith.select %and3A, %sub3A_43, %div3A : i32
    %add3A_44 = arith.constant 0 : i32
    %add3A_45 = arith.addi %add3A_44, %select_n3A : i32
    %mul3A = arith.constant 0 : i32
    %mul3A_46 = arith.constant 512 : i32
    %mul3A_47 = arith.muli %mul3A, %mul3A_46 : i32
    %add3A_48 = vector.broadcast %mul3A_47 : i32 to vector<32x128xi32>
    %add3A_49 = arith.addi %add3A_48, %convert_element_type3A_19 : vector<32x128xi32>
    %jit3A_50 = arith.constant 0 : i32
    %broadcast_in_dim3A_51 = vector.broadcast %jit3A_50 : i32 to vector<32x128xi32>
    %select_n3A_52 = arith.select %eq3A_10, %add3A_49, %broadcast_in_dim3A_51 : vector<32x128xi1>, vector<32x128xi32>
    %add3A_53 = arith.addi %broadcast_in_dim3A_8, %select_n3A_52 : vector<32x128xi32>
    %eq3A_54 = arith.constant 1 : i32
    %eq3A_55 = vector.broadcast %eq3A_54 : i32 to vector<32x128xi32>
    %eq3A_56 = arith.cmpi eq, %get3A_1, %eq3A_55 : vector<32x128xi32>
    %convert_element_type3A_57 = arith.extui %eq3A_56 : vector<32x128xi1> to vector<32x128xi32>
    %convert_element_type3A_58 = arith.sitofp %convert_element_type3A_57 : vector<32x128xi32> to vector<32x128xf32>
    %dot_general3A_59 = arith.constant dense<0.000000e+00> : vector<32x128xf32>
    %dot_general3A_60 = tpu.matmul %convert_element_type3A_58, %convert_element_type3A_3, %dot_general3A_59 {dimension_numbers = #tpu.dot_dimension_numbers<[1], [0], [0], [1], [0, 0, 1, 1], [], []>, transpose_lhs_hint = false} : vector<32x128xf32>, vector<128x128xf32>, vector<32x128xf32> -> vector<32x128xf32>
    %slice3A_61 = vector.extract_strided_slice %dot_general3A_60 {offsets = [0, 127], sizes = [32, 1], strides = [1, 1]} : vector<32x128xf32> to vector<32x1xf32>
    %dot_general3A_62 = arith.constant dense<0.000000e+00> : vector<32x1xf32>
    %dot_general3A_63 = tpu.matmul %convert_element_type3A_7, %slice3A_61, %dot_general3A_62 {dimension_numbers = #tpu.dot_dimension_numbers<[1], [0], [0], [1], [0, 0, 1, 1], [], []>, transpose_lhs_hint = false} : vector<32x32xf32>, vector<32x1xf32>, vector<32x1xf32> -> vector<32x1xf32>
    %sub3A_64 = arith.constant 1.000000e+00 : f32
    %sub3A_65 = vector.broadcast %sub3A_64 : f32 to vector<32x128xf32>
    %sub3A_66 = arith.subf %dot_general3A_60, %sub3A_65 : vector<32x128xf32>
    %add3A_67 = vector.broadcast %dot_general3A_63 : vector<32x1xf32> to vector<32x128xf32>
    %add3A_68 = arith.addf %sub3A_66, %add3A_67 : vector<32x128xf32>
    %convert_element_type3A_69 = arith.fptosi %add3A_68 : vector<32x128xf32> to vector<32x128xi32>
    %reduce_sum3A_70 = vector.shape_cast %convert_element_type3A_58 : vector<32x128xf32> to vector<1x32x128xf32>
    %reduce_sum3A_71 = arith.constant dense<0.000000e+00> : vector<1xf32>
    %reduce_sum3A_72 = vector.multi_reduction <add>, %reduce_sum3A_70, %reduce_sum3A_71 [1, 2] : vector<1x32x128xf32> to vector<1xf32>
    %reduce_sum3A_73 = vector.shape_cast %reduce_sum3A_72 : vector<1xf32> to vector<1x1x1xf32>
    %reduce_sum3A_74 = vector.extract %reduce_sum3A_73[0, 0, 0] : f32 from vector<1x1x1xf32>
    %convert_element_type3A_75 = arith.fptosi %reduce_sum3A_74 : f32 to i32
    %add3A_76 = arith.constant 511 : i32
    %add3A_77 = arith.addi %convert_element_type3A_75, %add3A_76 : i32
    %jit3A_78 = arith.constant 512 : i32
    %div3A_79 = arith.divsi %add3A_77, %jit3A_78 : i32
    %sign3A_80 = arith.constant 0 : i32
    %sign3A_81 = arith.cmpi sgt, %add3A_77, %sign3A_80 : i32
    %sign3A_82 = arith.extui %sign3A_81 : i1 to i32
    %sign3A_83 = arith.constant 0 : i32
    %sign3A_84 = arith.cmpi slt, %add3A_77, %sign3A_83 : i32
    %sign3A_85 = arith.extui %sign3A_84 : i1 to i32
    %sign3A_86 = arith.subi %sign3A_82, %sign3A_85 : i32
    %sign3A_87 = arith.constant 0 : i32
    %sign3A_88 = arith.cmpi sgt, %jit3A_78, %sign3A_87 : i32
    %sign3A_89 = arith.extui %sign3A_88 : i1 to i32
    %sign3A_90 = arith.constant 0 : i32
    %sign3A_91 = arith.cmpi slt, %jit3A_78, %sign3A_90 : i32
    %sign3A_92 = arith.extui %sign3A_91 : i1 to i32
    %sign3A_93 = arith.subi %sign3A_89, %sign3A_92 : i32
    %ne3A_94 = arith.cmpi ne, %sign3A_86, %sign3A_93 : i32
    %rem3A_95 = arith.remsi %add3A_77, %jit3A_78 : i32
    %ne3A_96 = arith.constant 0 : i32
    %ne3A_97 = arith.cmpi ne, %rem3A_95, %ne3A_96 : i32
    %and3A_98 = arith.andi %ne3A_94, %ne3A_97 : i1
    %sub3A_99 = arith.constant 1 : i32
    %sub3A_100 = arith.subi %div3A_79, %sub3A_99 : i32
    %select_n3A_101 = arith.select %and3A_98, %sub3A_100, %div3A_79 : i32
    %add3A_102 = arith.addi %add3A_45, %select_n3A_101 : i32
    %mul3A_103 = arith.constant 512 : i32
    %mul3A_104 = arith.muli %add3A_45, %mul3A_103 : i32
    %add3A_105 = vector.broadcast %mul3A_104 : i32 to vector<32x128xi32>
    %add3A_106 = arith.addi %add3A_105, %convert_element_type3A_69 : vector<32x128xi32>
    %jit3A_107 = arith.constant 0 : i32
    %broadcast_in_dim3A_108 = vector.broadcast %jit3A_107 : i32 to vector<32x128xi32>
    %select_n3A_109 = arith.select %eq3A_56, %add3A_106, %broadcast_in_dim3A_108 : vector<32x128xi1>, vector<32x128xi32>
    %add3A_110 = arith.addi %add3A_53, %select_n3A_109 : vector<32x128xi32>
    %eq3A_111 = arith.constant 2 : i32
    %eq3A_112 = vector.broadcast %eq3A_111 : i32 to vector<32x128xi32>
    %eq3A_113 = arith.cmpi eq, %get3A_1, %eq3A_112 : vector<32x128xi32>
    %convert_element_type3A_114 = arith.extui %eq3A_113 : vector<32x128xi1> to vector<32x128xi32>
    %convert_element_type3A_115 = arith.sitofp %convert_element_type3A_114 : vector<32x128xi32> to vector<32x128xf32>
    %dot_general3A_116 = arith.constant dense<0.000000e+00> : vector<32x128xf32>
    %dot_general3A_117 = tpu.matmul %convert_element_type3A_115, %convert_element_type3A_3, %dot_general3A_116 {dimension_numbers = #tpu.dot_dimension_numbers<[1], [0], [0], [1], [0, 0, 1, 1], [], []>, transpose_lhs_hint = false} : vector<32x128xf32>, vector<128x128xf32>, vector<32x128xf32> -> vector<32x128xf32>
    %slice3A_118 = vector.extract_strided_slice %dot_general3A_117 {offsets = [0, 127], sizes = [32, 1], strides = [1, 1]} : vector<32x128xf32> to vector<32x1xf32>
    %dot_general3A_119 = arith.constant dense<0.000000e+00> : vector<32x1xf32>
    %dot_general3A_120 = tpu.matmul %convert_element_type3A_7, %slice3A_118, %dot_general3A_119 {dimension_numbers = #tpu.dot_dimension_numbers<[1], [0], [0], [1], [0, 0, 1, 1], [], []>, transpose_lhs_hint = false} : vector<32x32xf32>, vector<32x1xf32>, vector<32x1xf32> -> vector<32x1xf32>
    %sub3A_121 = arith.constant 1.000000e+00 : f32
    %sub3A_122 = vector.broadcast %sub3A_121 : f32 to vector<32x128xf32>
    %sub3A_123 = arith.subf %dot_general3A_117, %sub3A_122 : vector<32x128xf32>
    %add3A_124 = vector.broadcast %dot_general3A_120 : vector<32x1xf32> to vector<32x128xf32>
    %add3A_125 = arith.addf %sub3A_123, %add3A_124 : vector<32x128xf32>
    %convert_element_type3A_126 = arith.fptosi %add3A_125 : vector<32x128xf32> to vector<32x128xi32>
    %reduce_sum3A_127 = vector.shape_cast %convert_element_type3A_115 : vector<32x128xf32> to vector<1x32x128xf32>
    %reduce_sum3A_128 = arith.constant dense<0.000000e+00> : vector<1xf32>
    %reduce_sum3A_129 = vector.multi_reduction <add>, %reduce_sum3A_127, %reduce_sum3A_128 [1, 2] : vector<1x32x128xf32> to vector<1xf32>
    %reduce_sum3A_130 = vector.shape_cast %reduce_sum3A_129 : vector<1xf32> to vector<1x1x1xf32>
    %reduce_sum3A_131 = vector.extract %reduce_sum3A_130[0, 0, 0] : f32 from vector<1x1x1xf32>
    %convert_element_type3A_132 = arith.fptosi %reduce_sum3A_131 : f32 to i32
    %add3A_133 = arith.constant 511 : i32
    %add3A_134 = arith.addi %convert_element_type3A_132, %add3A_133 : i32
    %jit3A_135 = arith.constant 512 : i32
    %div3A_136 = arith.divsi %add3A_134, %jit3A_135 : i32
    %sign3A_137 = arith.constant 0 : i32
    %sign3A_138 = arith.cmpi sgt, %add3A_134, %sign3A_137 : i32
    %sign3A_139 = arith.extui %sign3A_138 : i1 to i32
    %sign3A_140 = arith.constant 0 : i32
    %sign3A_141 = arith.cmpi slt, %add3A_134, %sign3A_140 : i32
    %sign3A_142 = arith.extui %sign3A_141 : i1 to i32
    %sign3A_143 = arith.subi %sign3A_139, %sign3A_142 : i32
    %sign3A_144 = arith.constant 0 : i32
    %sign3A_145 = arith.cmpi sgt, %jit3A_135, %sign3A_144 : i32
    %sign3A_146 = arith.extui %sign3A_145 : i1 to i32
    %sign3A_147 = arith.constant 0 : i32
    %sign3A_148 = arith.cmpi slt, %jit3A_135, %sign3A_147 : i32
    %sign3A_149 = arith.extui %sign3A_148 : i1 to i32
    %sign3A_150 = arith.subi %sign3A_146, %sign3A_149 : i32
    %ne3A_151 = arith.cmpi ne, %sign3A_143, %sign3A_150 : i32
    %rem3A_152 = arith.remsi %add3A_134, %jit3A_135 : i32
    %ne3A_153 = arith.constant 0 : i32
    %ne3A_154 = arith.cmpi ne, %rem3A_152, %ne3A_153 : i32
    %and3A_155 = arith.andi %ne3A_151, %ne3A_154 : i1
    %sub3A_156 = arith.constant 1 : i32
    %sub3A_157 = arith.subi %div3A_136, %sub3A_156 : i32
    %select_n3A_158 = arith.select %and3A_155, %sub3A_157, %div3A_136 : i32
    %add3A_159 = arith.addi %add3A_102, %select_n3A_158 : i32
    %mul3A_160 = arith.constant 512 : i32
    %mul3A_161 = arith.muli %add3A_102, %mul3A_160 : i32
    %add3A_162 = vector.broadcast %mul3A_161 : i32 to vector<32x128xi32>
    %add3A_163 = arith.addi %add3A_162, %convert_element_type3A_126 : vector<32x128xi32>
    %jit3A_164 = arith.constant 0 : i32
    %broadcast_in_dim3A_165 = vector.broadcast %jit3A_164 : i32 to vector<32x128xi32>
    %select_n3A_166 = arith.select %eq3A_113, %add3A_163, %broadcast_in_dim3A_165 : vector<32x128xi1>, vector<32x128xi32>
    %add3A_167 = arith.addi %add3A_110, %select_n3A_166 : vector<32x128xi32>
    %eq3A_168 = arith.constant 3 : i32
    %eq3A_169 = vector.broadcast %eq3A_168 : i32 to vector<32x128xi32>
    %eq3A_170 = arith.cmpi eq, %get3A_1, %eq3A_169 : vector<32x128xi32>
    %convert_element_type3A_171 = arith.extui %eq3A_170 : vector<32x128xi1> to vector<32x128xi32>
    %convert_element_type3A_172 = arith.sitofp %convert_element_type3A_171 : vector<32x128xi32> to vector<32x128xf32>
    %dot_general3A_173 = arith.constant dense<0.000000e+00> : vector<32x128xf32>
    %dot_general3A_174 = tpu.matmul %convert_element_type3A_172, %convert_element_type3A_3, %dot_general3A_173 {dimension_numbers = #tpu.dot_dimension_numbers<[1], [0], [0], [1], [0, 0, 1, 1], [], []>, transpose_lhs_hint = false} : vector<32x128xf32>, vector<128x128xf32>, vector<32x128xf32> -> vector<32x128xf32>
    %slice3A_175 = vector.extract_strided_slice %dot_general3A_174 {offsets = [0, 127], sizes = [32, 1], strides = [1, 1]} : vector<32x128xf32> to vector<32x1xf32>
    %dot_general3A_176 = arith.constant dense<0.000000e+00> : vector<32x1xf32>
    %dot_general3A_177 = tpu.matmul %convert_element_type3A_7, %slice3A_175, %dot_general3A_176 {dimension_numbers = #tpu.dot_dimension_numbers<[1], [0], [0], [1], [0, 0, 1, 1], [], []>, transpose_lhs_hint = false} : vector<32x32xf32>, vector<32x1xf32>, vector<32x1xf32> -> vector<32x1xf32>
    %sub3A_178 = arith.constant 1.000000e+00 : f32
    %sub3A_179 = vector.broadcast %sub3A_178 : f32 to vector<32x128xf32>
    %sub3A_180 = arith.subf %dot_general3A_174, %sub3A_179 : vector<32x128xf32>
    %add3A_181 = vector.broadcast %dot_general3A_177 : vector<32x1xf32> to vector<32x128xf32>
    %add3A_182 = arith.addf %sub3A_180, %add3A_181 : vector<32x128xf32>
    %convert_element_type3A_183 = arith.fptosi %add3A_182 : vector<32x128xf32> to vector<32x128xi32>
    %reduce_sum3A_184 = vector.shape_cast %convert_element_type3A_172 : vector<32x128xf32> to vector<1x32x128xf32>
    %reduce_sum3A_185 = arith.constant dense<0.000000e+00> : vector<1xf32>
    %reduce_sum3A_186 = vector.multi_reduction <add>, %reduce_sum3A_184, %reduce_sum3A_185 [1, 2] : vector<1x32x128xf32> to vector<1xf32>
    %reduce_sum3A_187 = vector.shape_cast %reduce_sum3A_186 : vector<1xf32> to vector<1x1x1xf32>
    %reduce_sum3A_188 = vector.extract %reduce_sum3A_187[0, 0, 0] : f32 from vector<1x1x1xf32>
    %convert_element_type3A_189 = arith.fptosi %reduce_sum3A_188 : f32 to i32
    %add3A_190 = arith.constant 511 : i32
    %add3A_191 = arith.addi %convert_element_type3A_189, %add3A_190 : i32
    %jit3A_192 = arith.constant 512 : i32
    %div3A_193 = arith.divsi %add3A_191, %jit3A_192 : i32
    %sign3A_194 = arith.constant 0 : i32
    %sign3A_195 = arith.cmpi sgt, %add3A_191, %sign3A_194 : i32
    %sign3A_196 = arith.extui %sign3A_195 : i1 to i32
    %sign3A_197 = arith.constant 0 : i32
    %sign3A_198 = arith.cmpi slt, %add3A_191, %sign3A_197 : i32
    %sign3A_199 = arith.extui %sign3A_198 : i1 to i32
    %sign3A_200 = arith.subi %sign3A_196, %sign3A_199 : i32
    %sign3A_201 = arith.constant 0 : i32
    %sign3A_202 = arith.cmpi sgt, %jit3A_192, %sign3A_201 : i32
    %sign3A_203 = arith.extui %sign3A_202 : i1 to i32
    %sign3A_204 = arith.constant 0 : i32
    %sign3A_205 = arith.cmpi slt, %jit3A_192, %sign3A_204 : i32
    %sign3A_206 = arith.extui %sign3A_205 : i1 to i32
    %sign3A_207 = arith.subi %sign3A_203, %sign3A_206 : i32
    %ne3A_208 = arith.cmpi ne, %sign3A_200, %sign3A_207 : i32
    %rem3A_209 = arith.remsi %add3A_191, %jit3A_192 : i32
    %ne3A_210 = arith.constant 0 : i32
    %ne3A_211 = arith.cmpi ne, %rem3A_209, %ne3A_210 : i32
    %and3A_212 = arith.andi %ne3A_208, %ne3A_211 : i1
    %sub3A_213 = arith.constant 1 : i32
    %sub3A_214 = arith.subi %div3A_193, %sub3A_213 : i32
    %select_n3A_215 = arith.select %and3A_212, %sub3A_214, %div3A_193 : i32
    %add3A_216 = arith.addi %add3A_159, %select_n3A_215 : i32
    %mul3A_217 = arith.constant 512 : i32
    %mul3A_218 = arith.muli %add3A_159, %mul3A_217 : i32
    %add3A_219 = vector.broadcast %mul3A_218 : i32 to vector<32x128xi32>
    %add3A_220 = arith.addi %add3A_219, %convert_element_type3A_183 : vector<32x128xi32>
    %jit3A_221 = arith.constant 0 : i32
    %broadcast_in_dim3A_222 = vector.broadcast %jit3A_221 : i32 to vector<32x128xi32>
    %select_n3A_223 = arith.select %eq3A_170, %add3A_220, %broadcast_in_dim3A_222 : vector<32x128xi1>, vector<32x128xi32>
    %add3A_224 = arith.addi %add3A_167, %select_n3A_223 : vector<32x128xi32>
    %eq3A_225 = arith.constant 4 : i32
    %eq3A_226 = vector.broadcast %eq3A_225 : i32 to vector<32x128xi32>
    %eq3A_227 = arith.cmpi eq, %get3A_1, %eq3A_226 : vector<32x128xi32>
    %convert_element_type3A_228 = arith.extui %eq3A_227 : vector<32x128xi1> to vector<32x128xi32>
    %convert_element_type3A_229 = arith.sitofp %convert_element_type3A_228 : vector<32x128xi32> to vector<32x128xf32>
    %dot_general3A_230 = arith.constant dense<0.000000e+00> : vector<32x128xf32>
    %dot_general3A_231 = tpu.matmul %convert_element_type3A_229, %convert_element_type3A_3, %dot_general3A_230 {dimension_numbers = #tpu.dot_dimension_numbers<[1], [0], [0], [1], [0, 0, 1, 1], [], []>, transpose_lhs_hint = false} : vector<32x128xf32>, vector<128x128xf32>, vector<32x128xf32> -> vector<32x128xf32>
    %slice3A_232 = vector.extract_strided_slice %dot_general3A_231 {offsets = [0, 127], sizes = [32, 1], strides = [1, 1]} : vector<32x128xf32> to vector<32x1xf32>
    %dot_general3A_233 = arith.constant dense<0.000000e+00> : vector<32x1xf32>
    %dot_general3A_234 = tpu.matmul %convert_element_type3A_7, %slice3A_232, %dot_general3A_233 {dimension_numbers = #tpu.dot_dimension_numbers<[1], [0], [0], [1], [0, 0, 1, 1], [], []>, transpose_lhs_hint = false} : vector<32x32xf32>, vector<32x1xf32>, vector<32x1xf32> -> vector<32x1xf32>
    %sub3A_235 = arith.constant 1.000000e+00 : f32
    %sub3A_236 = vector.broadcast %sub3A_235 : f32 to vector<32x128xf32>
    %sub3A_237 = arith.subf %dot_general3A_231, %sub3A_236 : vector<32x128xf32>
    %add3A_238 = vector.broadcast %dot_general3A_234 : vector<32x1xf32> to vector<32x128xf32>
    %add3A_239 = arith.addf %sub3A_237, %add3A_238 : vector<32x128xf32>
    %convert_element_type3A_240 = arith.fptosi %add3A_239 : vector<32x128xf32> to vector<32x128xi32>
    %reduce_sum3A_241 = vector.shape_cast %convert_element_type3A_229 : vector<32x128xf32> to vector<1x32x128xf32>
    %reduce_sum3A_242 = arith.constant dense<0.000000e+00> : vector<1xf32>
    %reduce_sum3A_243 = vector.multi_reduction <add>, %reduce_sum3A_241, %reduce_sum3A_242 [1, 2] : vector<1x32x128xf32> to vector<1xf32>
    %reduce_sum3A_244 = vector.shape_cast %reduce_sum3A_243 : vector<1xf32> to vector<1x1x1xf32>
    %reduce_sum3A_245 = vector.extract %reduce_sum3A_244[0, 0, 0] : f32 from vector<1x1x1xf32>
    %convert_element_type3A_246 = arith.fptosi %reduce_sum3A_245 : f32 to i32
    %add3A_247 = arith.constant 511 : i32
    %add3A_248 = arith.addi %convert_element_type3A_246, %add3A_247 : i32
    %jit3A_249 = arith.constant 512 : i32
    %div3A_250 = arith.divsi %add3A_248, %jit3A_249 : i32
    %sign3A_251 = arith.constant 0 : i32
    %sign3A_252 = arith.cmpi sgt, %add3A_248, %sign3A_251 : i32
    %sign3A_253 = arith.extui %sign3A_252 : i1 to i32
    %sign3A_254 = arith.constant 0 : i32
    %sign3A_255 = arith.cmpi slt, %add3A_248, %sign3A_254 : i32
    %sign3A_256 = arith.extui %sign3A_255 : i1 to i32
    %sign3A_257 = arith.subi %sign3A_253, %sign3A_256 : i32
    %sign3A_258 = arith.constant 0 : i32
    %sign3A_259 = arith.cmpi sgt, %jit3A_249, %sign3A_258 : i32
    %sign3A_260 = arith.extui %sign3A_259 : i1 to i32
    %sign3A_261 = arith.constant 0 : i32
    %sign3A_262 = arith.cmpi slt, %jit3A_249, %sign3A_261 : i32
    %sign3A_263 = arith.extui %sign3A_262 : i1 to i32
    %sign3A_264 = arith.subi %sign3A_260, %sign3A_263 : i32
    %ne3A_265 = arith.cmpi ne, %sign3A_257, %sign3A_264 : i32
    %rem3A_266 = arith.remsi %add3A_248, %jit3A_249 : i32
    %ne3A_267 = arith.constant 0 : i32
    %ne3A_268 = arith.cmpi ne, %rem3A_266, %ne3A_267 : i32
    %and3A_269 = arith.andi %ne3A_265, %ne3A_268 : i1
    %sub3A_270 = arith.constant 1 : i32
    %sub3A_271 = arith.subi %div3A_250, %sub3A_270 : i32
    %select_n3A_272 = arith.select %and3A_269, %sub3A_271, %div3A_250 : i32
    %add3A_273 = arith.addi %add3A_216, %select_n3A_272 : i32
    %mul3A_274 = arith.constant 512 : i32
    %mul3A_275 = arith.muli %add3A_216, %mul3A_274 : i32
    %add3A_276 = vector.broadcast %mul3A_275 : i32 to vector<32x128xi32>
    %add3A_277 = arith.addi %add3A_276, %convert_element_type3A_240 : vector<32x128xi32>
    %jit3A_278 = arith.constant 0 : i32
    %broadcast_in_dim3A_279 = vector.broadcast %jit3A_278 : i32 to vector<32x128xi32>
    %select_n3A_280 = arith.select %eq3A_227, %add3A_277, %broadcast_in_dim3A_279 : vector<32x128xi1>, vector<32x128xi32>
    %add3A_281 = arith.addi %add3A_224, %select_n3A_280 : vector<32x128xi32>
    %eq3A_282 = arith.constant 5 : i32
    %eq3A_283 = vector.broadcast %eq3A_282 : i32 to vector<32x128xi32>
    %eq3A_284 = arith.cmpi eq, %get3A_1, %eq3A_283 : vector<32x128xi32>
    %convert_element_type3A_285 = arith.extui %eq3A_284 : vector<32x128xi1> to vector<32x128xi32>
    %convert_element_type3A_286 = arith.sitofp %convert_element_type3A_285 : vector<32x128xi32> to vector<32x128xf32>
    %dot_general3A_287 = arith.constant dense<0.000000e+00> : vector<32x128xf32>
    %dot_general3A_288 = tpu.matmul %convert_element_type3A_286, %convert_element_type3A_3, %dot_general3A_287 {dimension_numbers = #tpu.dot_dimension_numbers<[1], [0], [0], [1], [0, 0, 1, 1], [], []>, transpose_lhs_hint = false} : vector<32x128xf32>, vector<128x128xf32>, vector<32x128xf32> -> vector<32x128xf32>
    %slice3A_289 = vector.extract_strided_slice %dot_general3A_288 {offsets = [0, 127], sizes = [32, 1], strides = [1, 1]} : vector<32x128xf32> to vector<32x1xf32>
    %dot_general3A_290 = arith.constant dense<0.000000e+00> : vector<32x1xf32>
    %dot_general3A_291 = tpu.matmul %convert_element_type3A_7, %slice3A_289, %dot_general3A_290 {dimension_numbers = #tpu.dot_dimension_numbers<[1], [0], [0], [1], [0, 0, 1, 1], [], []>, transpose_lhs_hint = false} : vector<32x32xf32>, vector<32x1xf32>, vector<32x1xf32> -> vector<32x1xf32>
    %sub3A_292 = arith.constant 1.000000e+00 : f32
    %sub3A_293 = vector.broadcast %sub3A_292 : f32 to vector<32x128xf32>
    %sub3A_294 = arith.subf %dot_general3A_288, %sub3A_293 : vector<32x128xf32>
    %add3A_295 = vector.broadcast %dot_general3A_291 : vector<32x1xf32> to vector<32x128xf32>
    %add3A_296 = arith.addf %sub3A_294, %add3A_295 : vector<32x128xf32>
    %convert_element_type3A_297 = arith.fptosi %add3A_296 : vector<32x128xf32> to vector<32x128xi32>
    %reduce_sum3A_298 = vector.shape_cast %convert_element_type3A_286 : vector<32x128xf32> to vector<1x32x128xf32>
    %reduce_sum3A_299 = arith.constant dense<0.000000e+00> : vector<1xf32>
    %reduce_sum3A_300 = vector.multi_reduction <add>, %reduce_sum3A_298, %reduce_sum3A_299 [1, 2] : vector<1x32x128xf32> to vector<1xf32>
    %reduce_sum3A_301 = vector.shape_cast %reduce_sum3A_300 : vector<1xf32> to vector<1x1x1xf32>
    %reduce_sum3A_302 = vector.extract %reduce_sum3A_301[0, 0, 0] : f32 from vector<1x1x1xf32>
    %convert_element_type3A_303 = arith.fptosi %reduce_sum3A_302 : f32 to i32
    %add3A_304 = arith.constant 511 : i32
    %add3A_305 = arith.addi %convert_element_type3A_303, %add3A_304 : i32
    %jit3A_306 = arith.constant 512 : i32
    %div3A_307 = arith.divsi %add3A_305, %jit3A_306 : i32
    %sign3A_308 = arith.constant 0 : i32
    %sign3A_309 = arith.cmpi sgt, %add3A_305, %sign3A_308 : i32
    %sign3A_310 = arith.extui %sign3A_309 : i1 to i32
    %sign3A_311 = arith.constant 0 : i32
    %sign3A_312 = arith.cmpi slt, %add3A_305, %sign3A_311 : i32
    %sign3A_313 = arith.extui %sign3A_312 : i1 to i32
    %sign3A_314 = arith.subi %sign3A_310, %sign3A_313 : i32
    %sign3A_315 = arith.constant 0 : i32
    %sign3A_316 = arith.cmpi sgt, %jit3A_306, %sign3A_315 : i32
    %sign3A_317 = arith.extui %sign3A_316 : i1 to i32
    %sign3A_318 = arith.constant 0 : i32
    %sign3A_319 = arith.cmpi slt, %jit3A_306, %sign3A_318 : i32
    %sign3A_320 = arith.extui %sign3A_319 : i1 to i32
    %sign3A_321 = arith.subi %sign3A_317, %sign3A_320 : i32
    %ne3A_322 = arith.cmpi ne, %sign3A_314, %sign3A_321 : i32
    %rem3A_323 = arith.remsi %add3A_305, %jit3A_306 : i32
    %ne3A_324 = arith.constant 0 : i32
    %ne3A_325 = arith.cmpi ne, %rem3A_323, %ne3A_324 : i32
    %and3A_326 = arith.andi %ne3A_322, %ne3A_325 : i1
    %sub3A_327 = arith.constant 1 : i32
    %sub3A_328 = arith.subi %div3A_307, %sub3A_327 : i32
    %select_n3A_329 = arith.select %and3A_326, %sub3A_328, %div3A_307 : i32
    %add3A_330 = arith.addi %add3A_273, %select_n3A_329 : i32
    %mul3A_331 = arith.constant 512 : i32
    %mul3A_332 = arith.muli %add3A_273, %mul3A_331 : i32
    %add3A_333 = vector.broadcast %mul3A_332 : i32 to vector<32x128xi32>
    %add3A_334 = arith.addi %add3A_333, %convert_element_type3A_297 : vector<32x128xi32>
    %jit3A_335 = arith.constant 0 : i32
    %broadcast_in_dim3A_336 = vector.broadcast %jit3A_335 : i32 to vector<32x128xi32>
    %select_n3A_337 = arith.select %eq3A_284, %add3A_334, %broadcast_in_dim3A_336 : vector<32x128xi1>, vector<32x128xi32>
    %add3A_338 = arith.addi %add3A_281, %select_n3A_337 : vector<32x128xi32>
    %eq3A_339 = arith.constant 6 : i32
    %eq3A_340 = vector.broadcast %eq3A_339 : i32 to vector<32x128xi32>
    %eq3A_341 = arith.cmpi eq, %get3A_1, %eq3A_340 : vector<32x128xi32>
    %convert_element_type3A_342 = arith.extui %eq3A_341 : vector<32x128xi1> to vector<32x128xi32>
    %convert_element_type3A_343 = arith.sitofp %convert_element_type3A_342 : vector<32x128xi32> to vector<32x128xf32>
    %dot_general3A_344 = arith.constant dense<0.000000e+00> : vector<32x128xf32>
    %dot_general3A_345 = tpu.matmul %convert_element_type3A_343, %convert_element_type3A_3, %dot_general3A_344 {dimension_numbers = #tpu.dot_dimension_numbers<[1], [0], [0], [1], [0, 0, 1, 1], [], []>, transpose_lhs_hint = false} : vector<32x128xf32>, vector<128x128xf32>, vector<32x128xf32> -> vector<32x128xf32>
    %slice3A_346 = vector.extract_strided_slice %dot_general3A_345 {offsets = [0, 127], sizes = [32, 1], strides = [1, 1]} : vector<32x128xf32> to vector<32x1xf32>
    %dot_general3A_347 = arith.constant dense<0.000000e+00> : vector<32x1xf32>
    %dot_general3A_348 = tpu.matmul %convert_element_type3A_7, %slice3A_346, %dot_general3A_347 {dimension_numbers = #tpu.dot_dimension_numbers<[1], [0], [0], [1], [0, 0, 1, 1], [], []>, transpose_lhs_hint = false} : vector<32x32xf32>, vector<32x1xf32>, vector<32x1xf32> -> vector<32x1xf32>
    %sub3A_349 = arith.constant 1.000000e+00 : f32
    %sub3A_350 = vector.broadcast %sub3A_349 : f32 to vector<32x128xf32>
    %sub3A_351 = arith.subf %dot_general3A_345, %sub3A_350 : vector<32x128xf32>
    %add3A_352 = vector.broadcast %dot_general3A_348 : vector<32x1xf32> to vector<32x128xf32>
    %add3A_353 = arith.addf %sub3A_351, %add3A_352 : vector<32x128xf32>
    %convert_element_type3A_354 = arith.fptosi %add3A_353 : vector<32x128xf32> to vector<32x128xi32>
    %reduce_sum3A_355 = vector.shape_cast %convert_element_type3A_343 : vector<32x128xf32> to vector<1x32x128xf32>
    %reduce_sum3A_356 = arith.constant dense<0.000000e+00> : vector<1xf32>
    %reduce_sum3A_357 = vector.multi_reduction <add>, %reduce_sum3A_355, %reduce_sum3A_356 [1, 2] : vector<1x32x128xf32> to vector<1xf32>
    %reduce_sum3A_358 = vector.shape_cast %reduce_sum3A_357 : vector<1xf32> to vector<1x1x1xf32>
    %reduce_sum3A_359 = vector.extract %reduce_sum3A_358[0, 0, 0] : f32 from vector<1x1x1xf32>
    %convert_element_type3A_360 = arith.fptosi %reduce_sum3A_359 : f32 to i32
    %add3A_361 = arith.constant 511 : i32
    %add3A_362 = arith.addi %convert_element_type3A_360, %add3A_361 : i32
    %jit3A_363 = arith.constant 512 : i32
    %div3A_364 = arith.divsi %add3A_362, %jit3A_363 : i32
    %sign3A_365 = arith.constant 0 : i32
    %sign3A_366 = arith.cmpi sgt, %add3A_362, %sign3A_365 : i32
    %sign3A_367 = arith.extui %sign3A_366 : i1 to i32
    %sign3A_368 = arith.constant 0 : i32
    %sign3A_369 = arith.cmpi slt, %add3A_362, %sign3A_368 : i32
    %sign3A_370 = arith.extui %sign3A_369 : i1 to i32
    %sign3A_371 = arith.subi %sign3A_367, %sign3A_370 : i32
    %sign3A_372 = arith.constant 0 : i32
    %sign3A_373 = arith.cmpi sgt, %jit3A_363, %sign3A_372 : i32
    %sign3A_374 = arith.extui %sign3A_373 : i1 to i32
    %sign3A_375 = arith.constant 0 : i32
    %sign3A_376 = arith.cmpi slt, %jit3A_363, %sign3A_375 : i32
    %sign3A_377 = arith.extui %sign3A_376 : i1 to i32
    %sign3A_378 = arith.subi %sign3A_374, %sign3A_377 : i32
    %ne3A_379 = arith.cmpi ne, %sign3A_371, %sign3A_378 : i32
    %rem3A_380 = arith.remsi %add3A_362, %jit3A_363 : i32
    %ne3A_381 = arith.constant 0 : i32
    %ne3A_382 = arith.cmpi ne, %rem3A_380, %ne3A_381 : i32
    %and3A_383 = arith.andi %ne3A_379, %ne3A_382 : i1
    %sub3A_384 = arith.constant 1 : i32
    %sub3A_385 = arith.subi %div3A_364, %sub3A_384 : i32
    %select_n3A_386 = arith.select %and3A_383, %sub3A_385, %div3A_364 : i32
    %add3A_387 = arith.addi %add3A_330, %select_n3A_386 : i32
    %mul3A_388 = arith.constant 512 : i32
    %mul3A_389 = arith.muli %add3A_330, %mul3A_388 : i32
    %add3A_390 = vector.broadcast %mul3A_389 : i32 to vector<32x128xi32>
    %add3A_391 = arith.addi %add3A_390, %convert_element_type3A_354 : vector<32x128xi32>
    %jit3A_392 = arith.constant 0 : i32
    %broadcast_in_dim3A_393 = vector.broadcast %jit3A_392 : i32 to vector<32x128xi32>
    %select_n3A_394 = arith.select %eq3A_341, %add3A_391, %broadcast_in_dim3A_393 : vector<32x128xi1>, vector<32x128xi32>
    %add3A_395 = arith.addi %add3A_338, %select_n3A_394 : vector<32x128xi32>
    %eq3A_396 = arith.constant 7 : i32
    %eq3A_397 = vector.broadcast %eq3A_396 : i32 to vector<32x128xi32>
    %eq3A_398 = arith.cmpi eq, %get3A_1, %eq3A_397 : vector<32x128xi32>
    %convert_element_type3A_399 = arith.extui %eq3A_398 : vector<32x128xi1> to vector<32x128xi32>
    %convert_element_type3A_400 = arith.sitofp %convert_element_type3A_399 : vector<32x128xi32> to vector<32x128xf32>
    %dot_general3A_401 = arith.constant dense<0.000000e+00> : vector<32x128xf32>
    %dot_general3A_402 = tpu.matmul %convert_element_type3A_400, %convert_element_type3A_3, %dot_general3A_401 {dimension_numbers = #tpu.dot_dimension_numbers<[1], [0], [0], [1], [0, 0, 1, 1], [], []>, transpose_lhs_hint = false} : vector<32x128xf32>, vector<128x128xf32>, vector<32x128xf32> -> vector<32x128xf32>
    %slice3A_403 = vector.extract_strided_slice %dot_general3A_402 {offsets = [0, 127], sizes = [32, 1], strides = [1, 1]} : vector<32x128xf32> to vector<32x1xf32>
    %dot_general3A_404 = arith.constant dense<0.000000e+00> : vector<32x1xf32>
    %dot_general3A_405 = tpu.matmul %convert_element_type3A_7, %slice3A_403, %dot_general3A_404 {dimension_numbers = #tpu.dot_dimension_numbers<[1], [0], [0], [1], [0, 0, 1, 1], [], []>, transpose_lhs_hint = false} : vector<32x32xf32>, vector<32x1xf32>, vector<32x1xf32> -> vector<32x1xf32>
    %sub3A_406 = arith.constant 1.000000e+00 : f32
    %sub3A_407 = vector.broadcast %sub3A_406 : f32 to vector<32x128xf32>
    %sub3A_408 = arith.subf %dot_general3A_402, %sub3A_407 : vector<32x128xf32>
    %add3A_409 = vector.broadcast %dot_general3A_405 : vector<32x1xf32> to vector<32x128xf32>
    %add3A_410 = arith.addf %sub3A_408, %add3A_409 : vector<32x128xf32>
    %convert_element_type3A_411 = arith.fptosi %add3A_410 : vector<32x128xf32> to vector<32x128xi32>
    %reduce_sum3A_412 = vector.shape_cast %convert_element_type3A_400 : vector<32x128xf32> to vector<1x32x128xf32>
    %reduce_sum3A_413 = arith.constant dense<0.000000e+00> : vector<1xf32>
    %reduce_sum3A_414 = vector.multi_reduction <add>, %reduce_sum3A_412, %reduce_sum3A_413 [1, 2] : vector<1x32x128xf32> to vector<1xf32>
    %reduce_sum3A_415 = vector.shape_cast %reduce_sum3A_414 : vector<1xf32> to vector<1x1x1xf32>
    %reduce_sum3A_416 = vector.extract %reduce_sum3A_415[0, 0, 0] : f32 from vector<1x1x1xf32>
    %convert_element_type3A_417 = arith.fptosi %reduce_sum3A_416 : f32 to i32
    %add3A_418 = arith.constant 511 : i32
    %add3A_419 = arith.addi %convert_element_type3A_417, %add3A_418 : i32
    %jit3A_420 = arith.constant 512 : i32
    %div3A_421 = arith.divsi %add3A_419, %jit3A_420 : i32
    %sign3A_422 = arith.constant 0 : i32
    %sign3A_423 = arith.cmpi sgt, %add3A_419, %sign3A_422 : i32
    %sign3A_424 = arith.extui %sign3A_423 : i1 to i32
    %sign3A_425 = arith.constant 0 : i32
    %sign3A_426 = arith.cmpi slt, %add3A_419, %sign3A_425 : i32
    %sign3A_427 = arith.extui %sign3A_426 : i1 to i32
    %sign3A_428 = arith.subi %sign3A_424, %sign3A_427 : i32
    %sign3A_429 = arith.constant 0 : i32
    %sign3A_430 = arith.cmpi sgt, %jit3A_420, %sign3A_429 : i32
    %sign3A_431 = arith.extui %sign3A_430 : i1 to i32
    %sign3A_432 = arith.constant 0 : i32
    %sign3A_433 = arith.cmpi slt, %jit3A_420, %sign3A_432 : i32
    %sign3A_434 = arith.extui %sign3A_433 : i1 to i32
    %sign3A_435 = arith.subi %sign3A_431, %sign3A_434 : i32
    %ne3A_436 = arith.cmpi ne, %sign3A_428, %sign3A_435 : i32
    %rem3A_437 = arith.remsi %add3A_419, %jit3A_420 : i32
    %ne3A_438 = arith.constant 0 : i32
    %ne3A_439 = arith.cmpi ne, %rem3A_437, %ne3A_438 : i32
    %and3A_440 = arith.andi %ne3A_436, %ne3A_439 : i1
    %sub3A_441 = arith.constant 1 : i32
    %sub3A_442 = arith.subi %div3A_421, %sub3A_441 : i32
    %select_n3A_443 = arith.select %and3A_440, %sub3A_442, %div3A_421 : i32
    %add3A_444 = arith.addi %add3A_387, %select_n3A_443 : i32
    %mul3A_445 = arith.constant 512 : i32
    %mul3A_446 = arith.muli %add3A_387, %mul3A_445 : i32
    %add3A_447 = vector.broadcast %mul3A_446 : i32 to vector<32x128xi32>
    %add3A_448 = arith.addi %add3A_447, %convert_element_type3A_411 : vector<32x128xi32>
    %jit3A_449 = arith.constant 0 : i32
    %broadcast_in_dim3A_450 = vector.broadcast %jit3A_449 : i32 to vector<32x128xi32>
    %select_n3A_451 = arith.select %eq3A_398, %add3A_448, %broadcast_in_dim3A_450 : vector<32x128xi1>, vector<32x128xi32>
    %add3A_452 = arith.addi %add3A_395, %select_n3A_451 : vector<32x128xi32>
    %swap3A = arith.constant 0 : index
    %swap3A_453 = arith.constant 0 : index
    %swap3A_454 = vector.load %arg2[%swap3A, %swap3A_453] : memref<32x128xi32, #tpu.memory_space<vmem>>, vector<32x128xi32>
    tpu.vector_store %arg2[%swap3A, %swap3A_453], %add3A_452 {strides = array<i32>} : memref<32x128xi32, #tpu.memory_space<vmem>>, vector<32x128xi32>,
    %iota3A_455 = tpu.iota {dimensions = array<i32: 1>} : vector<1x128xi32>
    %broadcast_in_dim3A_456 = arith.constant 0 : i32
    %broadcast_in_dim3A_457 = vector.broadcast %broadcast_in_dim3A_456 : i32 to vector<1x128xi32>
    %ge3A = vector.broadcast %add3A_45 : i32 to vector<1x128xi32>
    %ge3A_458 = arith.cmpi sge, %iota3A_455, %ge3A : vector<1x128xi32>
    %convert_element_type3A_459 = arith.extui %ge3A_458 : vector<1x128xi1> to vector<1x128xi32>
    %add3A_460 = arith.addi %broadcast_in_dim3A_457, %convert_element_type3A_459 : vector<1x128xi32>
    %ge3A_461 = vector.broadcast %add3A_102 : i32 to vector<1x128xi32>
    %ge3A_462 = arith.cmpi sge, %iota3A_455, %ge3A_461 : vector<1x128xi32>
    %convert_element_type3A_463 = arith.extui %ge3A_462 : vector<1x128xi1> to vector<1x128xi32>
    %add3A_464 = arith.addi %add3A_460, %convert_element_type3A_463 : vector<1x128xi32>
    %ge3A_465 = vector.broadcast %add3A_159 : i32 to vector<1x128xi32>
    %ge3A_466 = arith.cmpi sge, %iota3A_455, %ge3A_465 : vector<1x128xi32>
    %convert_element_type3A_467 = arith.extui %ge3A_466 : vector<1x128xi1> to vector<1x128xi32>
    %add3A_468 = arith.addi %add3A_464, %convert_element_type3A_467 : vector<1x128xi32>
    %ge3A_469 = vector.broadcast %add3A_216 : i32 to vector<1x128xi32>
    %ge3A_470 = arith.cmpi sge, %iota3A_455, %ge3A_469 : vector<1x128xi32>
    %convert_element_type3A_471 = arith.extui %ge3A_470 : vector<1x128xi1> to vector<1x128xi32>
    %add3A_472 = arith.addi %add3A_468, %convert_element_type3A_471 : vector<1x128xi32>
    %ge3A_473 = vector.broadcast %add3A_273 : i32 to vector<1x128xi32>
    %ge3A_474 = arith.cmpi sge, %iota3A_455, %ge3A_473 : vector<1x128xi32>
    %convert_element_type3A_475 = arith.extui %ge3A_474 : vector<1x128xi1> to vector<1x128xi32>
    %add3A_476 = arith.addi %add3A_472, %convert_element_type3A_475 : vector<1x128xi32>
    %ge3A_477 = vector.broadcast %add3A_330 : i32 to vector<1x128xi32>
    %ge3A_478 = arith.cmpi sge, %iota3A_455, %ge3A_477 : vector<1x128xi32>
    %convert_element_type3A_479 = arith.extui %ge3A_478 : vector<1x128xi1> to vector<1x128xi32>
    %add3A_480 = arith.addi %add3A_476, %convert_element_type3A_479 : vector<1x128xi32>
    %ge3A_481 = vector.broadcast %add3A_387 : i32 to vector<1x128xi32>
    %ge3A_482 = arith.cmpi sge, %iota3A_455, %ge3A_481 : vector<1x128xi32>
    %convert_element_type3A_483 = arith.extui %ge3A_482 : vector<1x128xi1> to vector<1x128xi32>
    %add3A_484 = arith.addi %add3A_480, %convert_element_type3A_483 : vector<1x128xi32>
    %ge3A_485 = vector.broadcast %add3A_444 : i32 to vector<1x128xi32>
    %ge3A_486 = arith.cmpi sge, %iota3A_455, %ge3A_485 : vector<1x128xi32>
    %convert_element_type3A_487 = arith.extui %ge3A_486 : vector<1x128xi1> to vector<1x128xi32>
    %add3A_488 = arith.addi %add3A_484, %convert_element_type3A_487 : vector<1x128xi32>
    %min3A = arith.constant 7 : i32
    %min3A_489 = vector.broadcast %min3A : i32 to vector<1x128xi32>
    %min3A_490 = arith.minsi %add3A_488, %min3A_489 : vector<1x128xi32>
    %lt3A_491 = arith.constant 15 : i32
    %lt3A_492 = vector.broadcast %lt3A_491 : i32 to vector<1x128xi32>
    %lt3A_493 = arith.cmpi slt, %iota3A_455, %lt3A_492 : vector<1x128xi32>
    %jit3A_494 = arith.constant 0 : i32
    %broadcast_in_dim3A_495 = vector.broadcast %jit3A_494 : i32 to vector<1x128xi32>
    %select_n3A_496 = arith.select %lt3A_493, %min3A_490, %broadcast_in_dim3A_495 : vector<1x128xi1>, vector<1x128xi32>
    %eq3A_497 = arith.constant 64 : i32
    %eq3A_498 = vector.broadcast %eq3A_497 : i32 to vector<1x128xi32>
    %eq3A_499 = arith.cmpi eq, %iota3A_455, %eq3A_498 : vector<1x128xi32>
    %jit3A_500 = arith.constant 0 : i32
    %broadcast_in_dim3A_501 = vector.broadcast %add3A_444 : i32 to vector<1x128xi32>
    %broadcast_in_dim3A_502 = vector.broadcast %jit3A_500 : i32 to vector<1x128xi32>
    %select_n3A_503 = arith.select %eq3A_499, %broadcast_in_dim3A_501, %broadcast_in_dim3A_502 : vector<1x128xi1>, vector<1x128xi32>
    %add3A_504 = arith.addi %select_n3A_496, %select_n3A_503 : vector<1x128xi32>
    %swap3A_505 = arith.constant 0 : index
    %swap3A_506 = arith.constant 0 : index
    %swap3A_507 = vector.load %arg3[%swap3A_505, %swap3A_506] : memref<1x128xi32, #tpu.memory_space<vmem>>, vector<1x128xi32>
    tpu.vector_store %arg3[%swap3A_505, %swap3A_506], %add3A_504 {strides = array<i32>} : memref<1x128xi32, #tpu.memory_space<vmem>>, vector<1x128xi32>,
    return
  }
  func.func @transform_0(%arg0: i32) -> (i32, i32) {
    %c0_i32 = arith.constant 0 : i32
    %c0_i32_0 = arith.constant 0 : i32
    %c0_i32_1 = arith.constant 0 : i32
    return %c0_i32, %c0_i32_0 : i32, i32
  }
  func.func @transform_1(%arg0: i32) -> (i32, i32) {
    %c0_i32 = arith.constant 0 : i32
    %c0_i32_0 = arith.constant 0 : i32
    %c0_i32_1 = arith.constant 0 : i32
    return %c0_i32, %c0_i32_0 : i32, i32
  }
  func.func @transform_2(%arg0: i32) -> (i32, i32) {
    %c0_i32 = arith.constant 0 : i32
    %c0_i32_0 = arith.constant 0 : i32
    %c0_i32_1 = arith.constant 0 : i32
    return %c0_i32, %c0_i32_0 : i32, i32
  }
}

module attributes {stable_mosaic.version = 14 : i64} {
  func.func @_mlp_body(%arg0: i32, %arg1: memref<1x128xi32, #tpu.memory_space<smem>>, %arg2: memref<1x1x512xf32, #tpu.memory_space<vmem>>, %arg3: memref<1x1x512xf32, #tpu.memory_space<vmem>>, %arg4: memref<1x24x1xf32, #tpu.memory_space<vmem>>, %arg5: memref<1x48x1024xf32, #tpu.memory_space<vmem>>, %arg6: memref<1x1x1024xf32, #tpu.memory_space<vmem>>, %arg7: memref<1x1024x1024xf32, #tpu.memory_space<vmem>>, %arg8: memref<1x1x1024xf32, #tpu.memory_space<vmem>>, %arg9: memref<512x1024xf32, #tpu.memory_space<vmem>>) attributes {dimension_semantics = [#tpu.dimension_semantics<arbitrary>], iteration_bounds = array<i64: 15>, scalar_prefetch = 1 : i64, scratch_operands = 0 : i64, tpu.core_type = #tpu.core_type<tc>, window_params = [{transform_indices = @transform_0, window_bounds = array<i64: 1, 1, 512>}, {transform_indices = @transform_1, window_bounds = array<i64: 1, 1, 512>}, {pipeline_mode = #tpu.pipeline_mode<synchronous>, transform_indices = @transform_2, window_bounds = array<i64: 1, 24, 1>}, {transform_indices = @transform_3, window_bounds = array<i64: 1, 48, 1024>}, {transform_indices = @transform_4, window_bounds = array<i64: 1, 1, 1024>}, {transform_indices = @transform_5, window_bounds = array<i64: 1, 1024, 1024>}, {transform_indices = @transform_6, window_bounds = array<i64: 1, 1, 1024>}, {transform_indices = @transform_7, window_bounds = array<i64: 512, 1024>}]} {
    %get3A = arith.constant 0 : index
    %get3A_0 = arith.constant 64 : index
    %get3A_1 = memref.load %arg1[%get3A, %get3A_0] : memref<1x128xi32, #tpu.memory_space<smem>>
    %lt3A = arith.cmpi slt, %arg0, %get3A_1 : i32
    %convert_element_type3A = arith.extui %lt3A : i1 to i32
    %cond3A = arith.constant 0 : i32
    %cond3A_2 = arith.cmpi ne, %convert_element_type3A, %cond3A : i32
    scf.if %cond3A_2 {
      %get3A_3 = arith.constant 0 : index
      %get3A_4 = arith.constant 0 : index
      %get3A_5 = arith.constant 0 : index
      %get3A_6 = vector.load %arg2[%get3A_3, %get3A_4, %get3A_5] : memref<1x1x512xf32, #tpu.memory_space<vmem>>, vector<1x1x512xf32>
      %get3A_7 = vector.shape_cast %get3A_6 : vector<1x1x512xf32> to vector<1x512xf32>
      %get3A_8 = arith.constant 0 : index
      %get3A_9 = arith.constant 0 : index
      %get3A_10 = arith.constant 0 : index
      %get3A_11 = vector.load %arg3[%get3A_8, %get3A_9, %get3A_10] : memref<1x1x512xf32, #tpu.memory_space<vmem>>, vector<1x1x512xf32>
      %get3A_12 = vector.shape_cast %get3A_11 : vector<1x1x512xf32> to vector<1x512xf32>
      %add3A = arith.addf %get3A_7, %get3A_12 : vector<1x512xf32>
      %get3A_13 = arith.constant 0 : index
      %get3A_14 = arith.constant 0 : index
      %get3A_15 = arith.constant 0 : index
      %get3A_16 = vector.load %arg4[%get3A_13, %get3A_14, %get3A_15] : memref<1x24x1xf32, #tpu.memory_space<vmem>>, vector<1x24x1xf32>
      %get3A_17 = vector.shape_cast %get3A_16 : vector<1x24x1xf32> to vector<24x1xf32>
      %mul3A = vector.broadcast %get3A_17 : vector<24x1xf32> to vector<24x512xf32>
      %mul3A_18 = vector.broadcast %add3A : vector<1x512xf32> to vector<24x512xf32>
      %mul3A_19 = arith.mulf %mul3A, %mul3A_18 : vector<24x512xf32>
      %sin3A = math.sin %mul3A_19 : vector<24x512xf32>
      %cos3A = math.cos %mul3A_19 : vector<24x512xf32>
      %concatenate3A = tpu.concatenate %sin3A, %cos3A in 0 : vector<24x512xf32>, vector<24x512xf32> -> vector<48x512xf32>
      %get3A_20 = arith.constant 0 : index
      %get3A_21 = arith.constant 0 : index
      %get3A_22 = arith.constant 0 : index
      %get3A_23 = vector.load %arg5[%get3A_20, %get3A_21, %get3A_22] : memref<1x48x1024xf32, #tpu.memory_space<vmem>>, vector<1x48x1024xf32>
      %get3A_24 = vector.shape_cast %get3A_23 : vector<1x48x1024xf32> to vector<48x1024xf32>
      %dot_general3A = arith.constant dense<0.000000e+00> : vector<512x1024xf32>
      %dot_general3A_25 = tpu.matmul %concatenate3A, %get3A_24, %dot_general3A {dimension_numbers = #tpu.dot_dimension_numbers<[0], [0], [1], [1], [0, 1, 1, 1], [], []>, transpose_lhs_hint = false} : vector<48x512xf32>, vector<48x1024xf32>, vector<512x1024xf32> -> vector<512x1024xf32>
      %get3A_26 = arith.constant 0 : index
      %get3A_27 = arith.constant 0 : index
      %get3A_28 = arith.constant 0 : index
      %get3A_29 = vector.load %arg6[%get3A_26, %get3A_27, %get3A_28] : memref<1x1x1024xf32, #tpu.memory_space<vmem>>, vector<1x1x1024xf32>
      %get3A_30 = vector.shape_cast %get3A_29 : vector<1x1x1024xf32> to vector<1x1024xf32>
      %add3A_31 = vector.broadcast %get3A_30 : vector<1x1024xf32> to vector<512x1024xf32>
      %add3A_32 = arith.addf %dot_general3A_25, %add3A_31 : vector<512x1024xf32>
      %mul3A_33 = arith.constant 5.000000e-01 : f32
      %mul3A_34 = vector.broadcast %mul3A_33 : f32 to vector<512x1024xf32>
      %mul3A_35 = arith.mulf %mul3A_34, %add3A_32 : vector<512x1024xf32>
      %mul3A_36 = arith.constant 0.707106769 : f32
      %mul3A_37 = vector.broadcast %mul3A_36 : f32 to vector<512x1024xf32>
      %mul3A_38 = arith.mulf %add3A_32, %mul3A_37 : vector<512x1024xf32>
      %erf3A = math.erf %mul3A_38 : vector<512x1024xf32>
      %add3A_39 = arith.constant 1.000000e+00 : f32
      %add3A_40 = vector.broadcast %add3A_39 : f32 to vector<512x1024xf32>
      %add3A_41 = arith.addf %add3A_40, %erf3A : vector<512x1024xf32>
      %mul3A_42 = arith.mulf %mul3A_35, %add3A_41 : vector<512x1024xf32>
      %get3A_43 = arith.constant 0 : index
      %get3A_44 = arith.constant 0 : index
      %get3A_45 = arith.constant 0 : index
      %get3A_46 = vector.load %arg7[%get3A_43, %get3A_44, %get3A_45] : memref<1x1024x1024xf32, #tpu.memory_space<vmem>>, vector<1x1024x1024xf32>
      %get3A_47 = vector.shape_cast %get3A_46 : vector<1x1024x1024xf32> to vector<1024x1024xf32>
      %dot_general3A_48 = arith.constant dense<0.000000e+00> : vector<512x1024xf32>
      %dot_general3A_49 = tpu.matmul %mul3A_42, %get3A_47, %dot_general3A_48 {dimension_numbers = #tpu.dot_dimension_numbers<[1], [0], [0], [1], [0, 0, 1, 1], [], []>, transpose_lhs_hint = false} : vector<512x1024xf32>, vector<1024x1024xf32>, vector<512x1024xf32> -> vector<512x1024xf32>
      %get3A_50 = arith.constant 0 : index
      %get3A_51 = arith.constant 0 : index
      %get3A_52 = arith.constant 0 : index
      %get3A_53 = vector.load %arg8[%get3A_50, %get3A_51, %get3A_52] : memref<1x1x1024xf32, #tpu.memory_space<vmem>>, vector<1x1x1024xf32>
      %get3A_54 = vector.shape_cast %get3A_53 : vector<1x1x1024xf32> to vector<1x1024xf32>
      %add3A_55 = vector.broadcast %get3A_54 : vector<1x1024xf32> to vector<512x1024xf32>
      %add3A_56 = arith.addf %dot_general3A_49, %add3A_55 : vector<512x1024xf32>
      %swap3A = arith.constant 0 : index
      %swap3A_57 = arith.constant 0 : index
      %swap3A_58 = vector.load %arg9[%swap3A, %swap3A_57] : memref<512x1024xf32, #tpu.memory_space<vmem>>, vector<512x1024xf32>
      tpu.vector_store %arg9[%swap3A, %swap3A_57], %add3A_56 {strides = array<i32>} : memref<512x1024xf32, #tpu.memory_space<vmem>>, vector<512x1024xf32>,
    } else {
    }
    return
  }
  func.func @transform_0(%arg0: i32, %arg1: memref<1x128xi32, #tpu.memory_space<smem>>) -> (i32, i32, i32) {
    %get3A = arith.constant 0 : index
    %get3A_0 = arith.constant 64 : index
    %get3A_1 = memref.load %arg1[%get3A, %get3A_0] : memref<1x128xi32, #tpu.memory_space<smem>>
    %min3A = arith.minsi %arg0, %get3A_1 : i32
    %c0_i32 = arith.constant 0 : i32
    %c0_i32_2 = arith.constant 0 : i32
    %c0_i32_3 = arith.constant 0 : i32
    return %min3A, %c0_i32, %c0_i32_2 : i32, i32, i32
  }
  func.func @transform_1(%arg0: i32, %arg1: memref<1x128xi32, #tpu.memory_space<smem>>) -> (i32, i32, i32) {
    %get3A = arith.constant 0 : index
    %get3A_0 = arith.constant 64 : index
    %get3A_1 = memref.load %arg1[%get3A, %get3A_0] : memref<1x128xi32, #tpu.memory_space<smem>>
    %min3A = arith.minsi %arg0, %get3A_1 : i32
    %add3A = arith.constant 15 : i32
    %add3A_2 = arith.addi %add3A, %min3A : i32
    %c0_i32 = arith.constant 0 : i32
    %c0_i32_3 = arith.constant 0 : i32
    %c0_i32_4 = arith.constant 0 : i32
    return %add3A_2, %c0_i32, %c0_i32_3 : i32, i32, i32
  }
  func.func @transform_2(%arg0: i32, %arg1: memref<1x128xi32, #tpu.memory_space<smem>>) -> (i32, i32, i32) {
    %c0_i32 = arith.constant 0 : i32
    %c0_i32_0 = arith.constant 0 : i32
    %c0_i32_1 = arith.constant 0 : i32
    %c0_i32_2 = arith.constant 0 : i32
    return %c0_i32, %c0_i32_0, %c0_i32_1 : i32, i32, i32
  }
  func.func @transform_3(%arg0: i32, %arg1: memref<1x128xi32, #tpu.memory_space<smem>>) -> (i32, i32, i32) {
    %get3A = arith.constant 0 : index
    %get3A_0 = arith.index_cast %arg0 : i32 to index
    %get3A_1 = memref.load %arg1[%get3A, %get3A_0] : memref<1x128xi32, #tpu.memory_space<smem>>
    %c0_i32 = arith.constant 0 : i32
    %c0_i32_2 = arith.constant 0 : i32
    %c0_i32_3 = arith.constant 0 : i32
    return %get3A_1, %c0_i32, %c0_i32_2 : i32, i32, i32
  }
  func.func @transform_4(%arg0: i32, %arg1: memref<1x128xi32, #tpu.memory_space<smem>>) -> (i32, i32, i32) {
    %get3A = arith.constant 0 : index
    %get3A_0 = arith.index_cast %arg0 : i32 to index
    %get3A_1 = memref.load %arg1[%get3A, %get3A_0] : memref<1x128xi32, #tpu.memory_space<smem>>
    %c0_i32 = arith.constant 0 : i32
    %c0_i32_2 = arith.constant 0 : i32
    %c0_i32_3 = arith.constant 0 : i32
    return %get3A_1, %c0_i32, %c0_i32_2 : i32, i32, i32
  }
  func.func @transform_5(%arg0: i32, %arg1: memref<1x128xi32, #tpu.memory_space<smem>>) -> (i32, i32, i32) {
    %get3A = arith.constant 0 : index
    %get3A_0 = arith.index_cast %arg0 : i32 to index
    %get3A_1 = memref.load %arg1[%get3A, %get3A_0] : memref<1x128xi32, #tpu.memory_space<smem>>
    %c0_i32 = arith.constant 0 : i32
    %c0_i32_2 = arith.constant 0 : i32
    %c0_i32_3 = arith.constant 0 : i32
    return %get3A_1, %c0_i32, %c0_i32_2 : i32, i32, i32
  }
  func.func @transform_6(%arg0: i32, %arg1: memref<1x128xi32, #tpu.memory_space<smem>>) -> (i32, i32, i32) {
    %get3A = arith.constant 0 : index
    %get3A_0 = arith.index_cast %arg0 : i32 to index
    %get3A_1 = memref.load %arg1[%get3A, %get3A_0] : memref<1x128xi32, #tpu.memory_space<smem>>
    %c0_i32 = arith.constant 0 : i32
    %c0_i32_2 = arith.constant 0 : i32
    %c0_i32_3 = arith.constant 0 : i32
    return %get3A_1, %c0_i32, %c0_i32_2 : i32, i32, i32
  }
  func.func @transform_7(%arg0: i32, %arg1: memref<1x128xi32, #tpu.memory_space<smem>>) -> (i32, i32) {
    %get3A = arith.constant 0 : index
    %get3A_0 = arith.constant 64 : index
    %get3A_1 = memref.load %arg1[%get3A, %get3A_0] : memref<1x128xi32, #tpu.memory_space<smem>>
    %min3A = arith.minsi %arg0, %get3A_1 : i32
    %c0_i32 = arith.constant 0 : i32
    %c0_i32_2 = arith.constant 0 : i32
    return %min3A, %c0_i32 : i32, i32
  }
}

</mosaic_0001>

<sc_bundles>
// kernel: kernel.6.cloned.1.call-start
scs
__scs_entry_jumppad:
0x0: {  	(pc) =	sbr.rel $0x88, $3  }
0x1: {  	(tag) =	ssettag $0x0;
	lr =	simm.s32 $0x1  }
0x2: {  	[smem:$0x3F99] =	sst lr;
	_ =	strace $0xD0000000  }
0x3: {  	_ = 	snop  }
0x4: {  	_ = 	snop  }
0x5: {  	_ = 	snop  }
0x6: {  	_ = 	snop  }
0x7: {  	_ = 	snop  }
__scs_overlays_trampoline_lowered:
0x8: {  	[smem:$0x3FA8] =	sst s0  }
0x9: {  	[smem:$0x3FA9] =	sst s1  }
0xa: {  	[smem:$0x3FAA] =	sst s2  }
0xb: {  	[smem:$0x3FAB] =	sst s3  }
0xc: {  	[smem:$0x3FAC] =	sst s4  }
0xd: {  	[smem:$0x3FAD] =	sst s5  }
0xe: {  	[smem:$0x3FAE] =	sst s6  }
0xf: {  	[smem:$0x3FAF] =	sst s7  }
0x10: {  	[smem:$0x3FB0] =	sst s8  }
0x11: {  	[smem:$0x3FB1] =	sst s9;
	s0 =	simm.s32 @!p0 $0x0  }
0x12: {  	s1 =	sld [smem:$0x3F97];
	s0 =	simm.s32 @p0 $0x1  }
0x13: {  	[smem:$0x3FB2] =	sst s0;
	s0 =	simm.s32 @!p1 $0x0  }
0x14: {  	s2 =	sld [smem:$0x3F96];
	s0 =	simm.s32 @p1 $0x1  }
0x15: {  	[smem:$0x3FB3] =	sst s0;
	s0 =	simm.s32 @!p2 $0x0  }
0x16: {  	s3 =	sld [smem:$0x3FDB];
	s0 =	simm.s32 @p2 $0x1  }
0x17: {  	s4 =	simm.s32 $0x1BF5;
	[smem:$0x3FB5] =	sst s0  }
0x18: {  	s0 =	sld [smem:$0x3F98];
	_ =	swait.ge [sflag:s4], $0x0  }
0x19: {  	s7 =	sld [smem:$0x3F99]  }
0x1a: {  	s8 =	sadd.s32 $0xFFFFE003, lr  }
0x1b: {  	s9 =	sadd.s32 $0xFFFFFEF7, lr;
	s5 =	simm.s32 $0xFFFFFFFF;
	p2 =	slt.u32 s8, $0xFFFFF086  }
0x1c: {  	p1 =	slt.u32 s9, $0xF7A;
	s5 =	simm.s32 @!p2 $0x0  }
0x1d: {  	s5 =	simm.s32 @p1 $0x1;
	p0 =	seq.s32 s7, s2  }
0x1e: {  	s7 =	smul.u32 @!p0 $0xF7A, s2;
	p2 =	seq.s32 @!p0 s5, $0x0  }
0x1f: {  	s9 =	smul.u32 $0xF7A, s1;
	s8 =	simm.s32 @!p0 $0x1BF5;
	p2 =	por !p2, p0  }
0x20: {  	[sflag:s8] =	ssyncset.s32 @!p0 $0xFFFFF086;
	s6 =	sadd.s32 @!p0 s3, s7;
	s7 =	simm.s32 @!p0 $0x108  }
0x21: {  	s3 =	sadd.s32 s3, s9;
	s6 =	sadd.s32 @!p0 $0x88, s6;
	s7 =	simm.s32 @p2 $0x1082  }
0x22: {  	[simem:s7], [sflag:s8] =	dma.local @!p0 [hbm:s6], $0xF7A  }
0x23: {  	s9 =	sor.u32 $0xD0000000, s2;
	s6 =	simm.s32 $0x108;
	_ =	swait.ge @!p0 [sflag:s8], $0x0  }
0x24: {  	s3 =	sadd.s32 $0x88, s3;
	s6 =	simm.s32 @!p1 $0x1082;
	[sflag:s4] =	ssyncset.s32 $0xFFFFF086  }
0x25: {  	[simem:s6], [sflag:s4] =	dma.local [hbm:s3], $0xF7A  }
0x26: {  	[smem:$0x3F99] =	sst s1;
	(tag) =	ssettag s2;
	_ =	strace s9  }
0x27: {  	s1 =	sld [smem:$0x3FA9]  }
0x28: {  	s2 =	sld [smem:$0x3FAA]  }
0x29: {  	s4 =	sld [smem:$0x3FAC]  }
0x2a: {  	p0 =	seq.s32 s5, $0x0;
	s5 =	sld [smem:$0x3FAD]  }
0x2b: {  	s6 =	sld [smem:$0x3FAE]  }
0x2c: {  	s7 =	sld [smem:$0x3FAF]  }
0x2d: {  	s3 =	simm.s32 $0x108;
	s8 =	sld [smem:$0x3FB0]  }
0x2e: {  	s3 =	simm.s32 @!p0 $0x1082;
	s9 =	sld [smem:$0x3FB1]  }
0x2f: {  	lr =	sadd.s32 s0, s3;
	s0 =	sld [smem:$0x3FA8]  }
0x30: {  	s3 =	sld [smem:$0x3FAB]  }
0x31: {  	[smem:$0x3FB4] =	sst s10  }
0x32: {  	s10 =	sld [smem:$0x3FB2];
	_ =	sdelay $0x3  }
0x33: {  	p0 =	seq.s32 s10, $0x1;
	s10 =	sld [smem:$0x3FB4];
	_ =	sdelay $0x3  }
0x34: {  	[smem:$0x3FB4] =	sst s10  }
0x35: {  	s10 =	sld [smem:$0x3FB3];
	_ =	sdelay $0x3  }
0x36: {  	p1 =	seq.s32 s10, $0x1;
	s10 =	sld [smem:$0x3FB4];
	_ =	sdelay $0x3  }
0x37: {  	[smem:$0x3FB4] =	sst s10  }
0x38: {  	s10 =	sld [smem:$0x3FB5]  }
0x39: {  	_ = 	snop;
	(pc) =	sbr.ind lr, $3  }
0x3a: {  	_ = 	snop  }
0x3b: {  	_ = 	snop  }
0x3c: {  	p2 =	seq.s32 s10, $0x1;
	s10 =	sld [smem:$0x3FB4]  }
0x3d: {  	_ =	shalt  }
0x3e: {  	_ =	shalt  }
0x3f: {  	_ =	shalt  }
0x40: {  	_ =	shalt  }
0x41: {  	_ =	shalt  }
0x42: {  	_ =	shalt  }
0x43: {  	_ =	shalt  }
0x44: {  	_ =	shalt  }
0x45: {  	_ =	shalt  }
0x46: {  	_ =	shalt  }
0x47: {  	_ =	shalt  }
0x48: {  	_ =	shalt  }
0x49: {  	_ =	shalt  }
0x4a: {  	_ =	shalt  }
0x4b: {  	_ =	shalt  }
0x4c: {  	_ =	shalt  }
0x4d: {  	_ =	shalt  }
0x4e: {  	_ =	shalt  }
0x4f: {  	_ =	shalt  }
0x50: {  	_ =	shalt  }
0x51: {  	_ =	shalt  }
0x52: {  	_ =	shalt  }
0x53: {  	_ =	shalt  }
0x54: {  	_ =	shalt  }
0x55: {  	_ =	shalt  }
0x56: {  	_ =	shalt  }
0x57: {  	_ =	shalt  }
0x58: {  	_ =	shalt  }
0x59: {  	_ =	shalt  }
0x5a: {  	_ =	shalt  }
0x5b: {  	_ =	shalt  }
0x5c: {  	_ =	shalt  }
0x5d: {  	_ =	shalt  }
0x5e: {  	_ =	shalt  }
0x5f: {  	_ =	shalt  }
0x60: {  	_ =	shalt  }
0x61: {  	_ =	shalt  }
0x62: {  	_ =	shalt  }
0x63: {  	_ =	shalt  }
0x64: {  	_ =	shalt  }
0x65: {  	_ =	shalt  }
0x66: {  	_ =	shalt  }
0x67: {  	_ =	shalt  }
0x68: {  	_ =	shalt  }
0x69: {  	_ =	shalt  }
0x6a: {  	_ =	shalt  }
0x6b: {  	_ =	shalt  }
0x6c: {  	_ =	shalt  }
0x6d: {  	_ =	shalt  }
0x6e: {  	_ =	shalt  }
0x6f: {  	_ =	shalt  }
0x70: {  	_ =	shalt  }
0x71: {  	_ =	shalt  }
0x72: {  	_ =	shalt  }
0x73: {  	_ =	shalt  }
0x74: {  	_ =	shalt  }
0x75: {  	_ =	shalt  }
0x76: {  	_ =	shalt  }
0x77: {  	_ =	shalt  }
0x78: {  	_ =	shalt  }
0x79: {  	_ =	shalt  }
0x7a: {  	_ =	shalt  }
0x7b: {  	_ =	shalt  }
0x7c: {  	_ =	shalt  }
0x7d: {  	_ =	shalt  }
0x7e: {  	_ =	shalt  }
0x7f: {  	_ =	shalt  }
0x80: {  	_ =	shalt  }
0x81: {  	_ =	shalt  }
0x82: {  	_ =	shalt  }
0x83: {  	_ =	shalt  }
0x84: {  	_ =	shalt  }
0x85: {  	_ =	shalt  }
0x86: {  	_ =	shalt  }
0x87: {  	_ =	shalt  }
.Lfunc_end0:
.L_simem_size_0:
called_computation_lowered:
.L_overlay_start_0:
0x88: {  	s2 =	sld [smem:$0x3FD9]  }
0x89: {  	s3 =	sld [smem:$0x3FFE];
	_ =	sdelay $0x1  }
0x8a: {  	s1 =	srdreg.scid  }
0x8b: {  	s0 =	sand.u32 $0x1, s1  }
0x8c: {  	s17 =	sshll.u32 s0, $0xA;
	s2 =	sadd.s32 s3, s2  }
0x8d: {  	s2 =	sadd.s32 s2, s17  }
0x8e: {  	[smem:$0x3FC0] =	sst s2  }
0x8f: {  	_ = 	snop  }
0x90: {  	s2 =	sld [smem:$0x3FC9]  }
0x91: {  	s18 =	sld [smem:$0x3FD0];
	(tm) =	ssettm $0x1  }
0x92: {  	s4 =	sld [smem:$0x3FFB];
	_ =	sdelay $0x3  }
0x93: {  	_ =	strace s4  }
0x94: {  	s4 =	sld [smem:$0x3FFC];
	_ =	sdelay $0x3  }
0x95: {  	_ =	strace s4  }
0x96: {  	s4 =	sld [smem:$0x3FFD];
	_ =	sdelay $0x3  }
0x97: {  	_ =	strace s4  }
0x98: {  	_ =	strace $0x8FFFFFFF  }
0x99: {  	s19 =	sld [smem:$0x3FDB];
	_ =	sdelay $0x1  }
0x9a: {  	s5 =	simm.s32 $_scs_section_size  }
0x9b: {  	s6 =	simm.s32 $_size__tile_overlayer_lowered;
	s7 =	simm.s32 $_tile_overlayer_lowered  }
0x9c: {  	s22 =	simm.s32 $0x1BFF;
	s21 =	sshll.u32 s7, $0x1;
	s4 =	sadd.s32 s5, s19  }
0x9d: {  	s8 =	simm.s32 $0x0;
	s20 =	sshll.u32 s6, $0x1;
	s6 =	sadd.s32 s21, s4  }
0x9e: {  	[timem:s8], [sflag:s22] =	dma.local [hbm:s6], s20  }
0x9f: {  	_ =	swait.ge [sflag:s22], s20  }
0xa0: {  	s5 =	ssub.s32 $0x0, s20;
	[sflag:s22] =	ssyncset.done $0x0  }
0xa1: {  	[sflag:s22] =	ssyncadd.s32 s5;
	_ =	sdelay $0x1  }
0xa2: {  	s23 =	simm.s32 $0x1B8B  }
0xa3: {  	_ =	swait.ge [sflag:s23], $0x1  }
0xa4: {  	[sflag:s23] =	ssyncset.done $0x0  }
0xa5: {  	s25 =	simm.s32 $0x1B8E;
	s24 =	sld [smem:$0x3FFE];
	[sflag:s23] =	ssyncadd.s32 $0xFFFFFFFF  }
0xa6: {  	s26 =	simm.s32 $execute0_lowered;
	[smem:$0x3FD2] =	sst s25  }
0xa7: {  	s6 =	sshll.u32 s26, $0x1;
	_ =	strace $0x80000046;
	[dreg:$0x1] =	wrdreg $0xFFFFFFFF  }
0xa8: {  	s28 =	simm.s32 $_size_execute0_lowered;
	s4 =	sadd.s32 s4, s6;
	[dreg:$0x0] =	wrdreg $0x0  }
0xa9: {  	s6 =	sshll.u32 s28, $0x1;
	[dreg:$0x2] =	wrdreg s4  }
0xaa: {  	[dreg:$0x3] =	wrdreg s6  }
0xab: {  	[dreg:$0x4] =	wrdreg $0xC0  }
0xac: {  	_ =	task [dreg:s8], $0x5FFFF  }
0xad: {  	[dreg:$0x1] =	wrdreg $0xFFFFFFFF  }
0xae: {  	[dreg:$0x0] =	wrdreg $0x60  }
0xaf: {  	[dreg:$0x2] =	wrdreg s2  }
0xb0: {  	[dreg:$0x3] =	wrdreg s24  }
0xb1: {  	[dreg:$0x4] =	wrdreg s18  }
0xb2: {  	[dreg:$0x5] =	wrdreg $0x3000  }
0xb3: {  	[dreg:$0x6] =	wrdreg $0x9  }
0xb4: {  	_ =	task.clear_ibuf [dreg:s8], $0x7FFFF;
	_ =	strace $0x90000046  }
0xb5: {  	s29 =	simm.s32 $0x9;
	_ =	strace $0x80000048  }
0xb6: {  	_ =	swait.ge [sflag:s29], $0x1  }
0xb7: {  	[sflag:s29] =	ssyncadd.s32 $0xFFFFFFFF  }
0xb8: {  	_ =	strace $0x90000048  }
0xb9: {  	_ =	sfence  }
0xba: {  	s30 =	sld [smem:$0x0];
	_ =	sdelay $0x2  }
0xbb: {  	s31 =	sshll.u32 s1, $0xD;
	s1 =	sshrl.u32 s1, $0x2  }
0xbc: {  	s3 =	sand.u32 $0x4000, s31;
	s1 =	sadd.s32 s1, s30  }
0xbd: {  	s0 =	sor.u32 s3, s0;
	s1 =	sshll.u32 s1, $0x11  }
0xbe: {  	s0 =	sor.u32 s1, s0  }
0xbf: {  	s0 =	sadd.s32 $0x8F2B, s0  }
0xc0: {  	[sflag:s0] =	ssyncadd.remote.s32 $0x1  }
0xc1: {  	_ =	sfence.sel $0xFFFF  }
0xc2: {  	[dreg:$0x0] =	wrdreg $0xFFFFFFFF;
	(pc) =	sbr.abs _section_cstart, $3  }
0xc3: {  	[dreg:$0x1] =	wrdreg $0xFFFFFFFF  }
0xc4: {  	_ =	task.clear_ibuf [dreg:s8], $0x2FFFF;
	_ =	strace $0x9FFFFFFF  }
0xc5: {  	(tm) =	ssettm $0x7FFFFFFF  }
tec
execute0_lowered:
.L_overlay_start_1:
0x0: {  	(tag) =	ssettag $0x1  }
0x1: {  	s7 =	rddreg [dreg:$0x0]  }
0x2: {  	s6 =	rddreg [dreg:$0x1]  }
0x3: {  	s9 =	rddreg [dreg:$0x2]  }
0x4: {  	s1 =	rddreg [dreg:$0x3];
	s2 =	simm.s32 $0x0  }
0x5: {  	v0 =	vimm.f32 $0.0e+00;
	[smem:$0x7FF] =	sst s2  }
0x6: {  	s0 =	rddreg [dreg:$0x4];
	_ =	strace $0x80000047;
	[tilespmem:$0x120] =	vst v0  }
0x7: {  	[tilespmem:$0x130] =	vst v0  }
0x8: {  	[tilespmem:$0x140] =	vst v0  }
0x9: {  	[tilespmem:$0x150] =	vst v0  }
0xa: {  	[tilespmem:$0x160] =	vst v0  }
0xb: {  	[tilespmem:$0x170] =	vst v0  }
0xc: {  	[tilespmem:$0x180] =	vst v0  }
0xd: {  	[tilespmem:$0x190] =	vst v0  }
0xe: {  	[tilespmem:$0x1A0] =	vst v0  }
0xf: {  	[tilespmem:$0x1B0] =	vst v0  }
0x10: {  	[tilespmem:$0x1C0] =	vst v0  }
0x11: {  	[tilespmem:$0x1D0] =	vst v0  }
0x12: {  	[tilespmem:$0x1E0] =	vst v0  }
0x13: {  	[tilespmem:$0x100] =	vst v0  }
0x14: {  	[tilespmem:$0x2D0] =	vst v0  }
0x15: {  	[tilespmem:$0x2C0] =	vst v0  }
0x16: {  	[tilespmem:$0x2B0] =	vst v0  }
0x17: {  	[tilespmem:$0x2A0] =	vst v0  }
0x18: {  	[tilespmem:$0x290] =	vst v0  }
0x19: {  	[tilespmem:$0x280] =	vst v0  }
0x1a: {  	[tilespmem:$0x270] =	vst v0  }
0x1b: {  	[tilespmem:$0x260] =	vst v0  }
0x1c: {  	[tilespmem:$0x250] =	vst v0  }
0x1d: {  	[tilespmem:$0x240] =	vst v0  }
0x1e: {  	[tilespmem:$0x230] =	vst v0  }
0x1f: {  	s10 =	stileid.u32;
	[tilespmem:$0x220] =	vst v0  }
0x20: {  	s4 =	smul.u32 $0x780, s10;
	[tilespmem:$0x210] =	vst v0  }
0x21: {  	s3 =	srdreg.scid;
	s5 =	simm.s32 $0x1;
	[tilespmem:$0x200] =	vst v0  }
0x22: {  	s11 =	sand.u32 $0x1, s3;
	s8 =	sshll.u32 s10, $0x5;
	[tilespmem:$0x1F0] =	vst v0;
	s31 =	sshrl.u32 s4, $0x2  }
0x23: {  	s12 =	sshll.u32 s11, $0x4;
	[tilespmem:$0x110] =	vst v0;
	s4 =	simm.s32 $0x100;
	s3 =	sadd.s32 s31, s1  }
0x24: {  	[spmem:s3] =	stream.linear.scatter [tilespmem:s4], [sflag:$0x1], $0x1E0, $0x38;
	[tilespmem:$0x4E0] =	vst v63  }
0x25: {  	s8 =	sor.u32 s12, s8;
	_ =	swait.ge [sflag:s5], $0x1E0  }
0x26: {  	s6 =	sadd.s32 s8, s6;
	[sflag:s5] =	ssyncset.done $0x0  }
0x27: {  	s6 =	sadd.s32 $0xE00, s6;
	[sflag:s5] =	ssyncadd.s32 $0xFFFFFE20  }
0x28: {  	[tilespmem:s2], [sflag:$0x1] =	stream.linear.gather [hbm4b:s6+s2], $0x80, $0x38;
	[tilespmem:$0x4E0] =	vst v63  }
0x29: {  	_ =	swait.ge [sflag:s5], $0x80  }
0x2a: {  	[sflag:s5] =	ssyncset.done $0x0  }
0x2b: {  	s7 =	sadd.s32 s7, s8;
	s8 =	simm.s32 $0x80;
	[sflag:s5] =	ssyncadd.s32 $0xFFFFFF80  }
0x2c: {  	[tilespmem:s8], [sflag:$0x1] =	stream.linear.gather [hbm4b:s7+s2], $0x80, $0x38;
	[tilespmem:$0x4E0] =	vst v63  }
0x2d: {  	s11 =	ssub.s32 $0x2, s11;
	_ =	swait.ge [sflag:s5], $0x80  }
0x2e: {  	s13 =	sshrl.u32 s11, $0x1;
	[sflag:s5] =	ssyncset.done $0x0  }
0x2f: {  	p0 =	sne.s32 s10, $0x0;
	s11 =	ssub.s32 s11, s13;
	[sflag:s5] =	ssyncadd.s32 $0xFFFFFF80  }
0x30: {  	s10 =	sshrl.u32 @!p0 s1, $0x3;
	s11 =	smax.u32 s11, $0x1;
	[bflag:$0x0] =	sbarrier.arrive $0xFFFF  }
0x31: {  	[spmem:s1] =	stream.indirect.scatter [tilespmem:s8], [sflag:$0x1], $0x1, s2, s8, $0xb8;
	[tilespmem:$0x4E0] =	vst v63  }
0x32: {  	s14 =	simm.s32 @!p0 $0x1C01;
	s11 =	sadd.s32 $0xFFFFFFFF, s11;
	_ =	swait.ge [sflag:s5], $0x80  }
0x33: {  	s15 =	simm.s32 @!p0 $0x20;
	p1 =	sne.s32 s11, $0x0;
	[sflag:s5] =	ssyncset.done $0x0  }
.Ltmp0:
0x34: {  	s9 =	sadd.s32 s9, s12;
	[sflag:s5] =	ssyncadd.s32 $0xFFFFFF80;
	(pc) =	sbr.rel @!p1 .LBB2_2-.Ltmp0, $4  }
0x35: {  	s12 =	simm.s32 @!p0 $0x1;
	s13 =	simm.s32 @!p0 $0x10;
	[bflag:$0x0] =	sbarrier.arrive $0xFFFF  }
0x36: {  	[hbm:s9@s15], [sflag:s14] =	dma.strided @!p0 [spmem:s10@s13], $0x3C0, s12, $0x10   }
0x37: {  	_ =	swait.ge @!p0 [sflag:s12], $0x3C0  }
0x38: {  	[sflag:s12] =	ssyncset.done @!p0 $0x0  }
.LBB2_1:
0x39: {  	s11 =	sadd.s32 $0xFFFFFFFF, s11;
	[sflag:s12] =	ssyncadd.s32 @!p0 $0xFFFFFC40  }
0x3a: {  	[tilespmem:$0x120] =	vst v0;
	p1 =	sne.s32 s11, $0x0  }
0x3b: {  	[tilespmem:$0x130] =	vst v0  }
0x3c: {  	[tilespmem:$0x140] =	vst v0  }
0x3d: {  	[tilespmem:$0x150] =	vst v0  }
0x3e: {  	[tilespmem:$0x160] =	vst v0  }
0x3f: {  	[tilespmem:$0x170] =	vst v0  }
0x40: {  	[tilespmem:$0x180] =	vst v0  }
0x41: {  	[tilespmem:$0x190] =	vst v0  }
0x42: {  	[tilespmem:$0x1A0] =	vst v0  }
0x43: {  	[tilespmem:$0x1B0] =	vst v0  }
0x44: {  	[tilespmem:$0x1C0] =	vst v0  }
0x45: {  	[tilespmem:$0x1D0] =	vst v0  }
0x46: {  	[tilespmem:$0x1E0] =	vst v0  }
0x47: {  	[tilespmem:$0x100] =	vst v0  }
0x48: {  	[tilespmem:$0x2D0] =	vst v0  }
0x49: {  	[tilespmem:$0x2C0] =	vst v0  }
0x4a: {  	[tilespmem:$0x2B0] =	vst v0  }
0x4b: {  	[tilespmem:$0x2A0] =	vst v0  }
0x4c: {  	[tilespmem:$0x290] =	vst v0  }
0x4d: {  	[tilespmem:$0x280] =	vst v0  }
0x4e: {  	[tilespmem:$0x270] =	vst v0  }
0x4f: {  	[tilespmem:$0x260] =	vst v0  }
0x50: {  	[tilespmem:$0x250] =	vst v0  }
0x51: {  	[tilespmem:$0x240] =	vst v0  }
0x52: {  	[tilespmem:$0x230] =	vst v0  }
0x53: {  	[tilespmem:$0x220] =	vst v0  }
0x54: {  	[tilespmem:$0x210] =	vst v0  }
0x55: {  	[tilespmem:$0x200] =	vst v0  }
0x56: {  	[tilespmem:$0x1F0] =	vst v0  }
0x57: {  	[tilespmem:$0x110] =	vst v0  }
0x58: {  	[spmem:s3] =	stream.linear.scatter [tilespmem:s4], [sflag:$0x1], $0x1E0, $0x38;
	[tilespmem:$0x4E0] =	vst v63  }
0x59: {  	_ =	swait.ge [sflag:s5], $0x1E0  }
0x5a: {  	[sflag:s5] =	ssyncset.done $0x0  }
0x5b: {  	[sflag:s5] =	ssyncadd.s32 $0xFFFFFE20  }
0x5c: {  	[tilespmem:s2], [sflag:$0x1] =	stream.linear.gather [hbm4b:s6+s2], $0x80, $0x38;
	[tilespmem:$0x4E0] =	vst v63  }
0x5d: {  	_ =	swait.ge [sflag:s5], $0x80  }
0x5e: {  	[sflag:s5] =	ssyncset.done $0x0  }
0x5f: {  	[sflag:s5] =	ssyncadd.s32 $0xFFFFFF80  }
0x60: {  	[tilespmem:s8], [sflag:$0x1] =	stream.linear.gather [hbm4b:s7+s2], $0x80, $0x38;
	[tilespmem:$0x4E0] =	vst v63  }
0x61: {  	_ =	swait.ge [sflag:s5], $0x80  }
0x62: {  	[sflag:s5] =	ssyncset.done $0x0  }
0x63: {  	[sflag:s5] =	ssyncadd.s32 $0xFFFFFF80  }
0x64: {  	[bflag:$0x0] =	sbarrier.arrive $0xFFFF  }
0x65: {  	[spmem:s1] =	stream.indirect.scatter [tilespmem:s8], [sflag:$0x1], $0x1, s2, s8, $0xb8;
	[tilespmem:$0x4E0] =	vst v63  }
0x66: {  	_ =	swait.ge [sflag:s5], $0x80  }
0x67: {  	[sflag:s5] =	ssyncset.done $0x0  }
.Ltmp1:
0x68: {  	[sflag:s5] =	ssyncadd.s32 $0xFFFFFF80;
	(pc) =	sbr.rel @p1 .LBB2_1-.Ltmp1, $4  }
0x69: {  	[bflag:$0x0] =	sbarrier.arrive $0xFFFF  }
0x6a: {  	[hbm:s9@s15], [sflag:s14] =	dma.strided @!p0 [spmem:s10@s13], $0x3C0, s12, $0x10   }
0x6b: {  	_ =	swait.ge @!p0 [sflag:s12], $0x3C0  }
0x6c: {  	[sflag:s12] =	ssyncset.done @!p0 $0x0  }
.LBB2_2:
0x6d: {  	[sflag:s12] =	ssyncadd.s32 @!p0 $0xFFFFFC40  }
0x6e: {  	_ =	sfence.sel $0x180000  }
0x6f: {  	[bflag:$0x0] =	sbarrier.arrive $0xFFFF  }
0x70: {  	_ =	strace $0x90000047  }
0x71: {  	s0 =	sadd.s32 @!p0 $0x100000, s0;
	[bflag:$0x2] =	sbarrier.arrive $0xFFFF  }
0x72: {  	[sflag:s0] =	ssyncadd.tile.s32 @!p0 $0x1;
	_ =	shalt  }
.Lfunc_end2:
_tile_overlayer_lowered:
.L_overlay_start_2:
0x73: {  	(tag) =	ssettag $0x2  }
0x74: {  	s0 =	rddreg [dreg:$0x0];
	s2 =	stileid.u32  }
0x75: {  	s1 =	rddreg [dreg:$0x1];
	p0 =	sne.s32 s2, $0x0  }
0x76: {  	s3 =	rddreg [dreg:$0x2];
	[bflag:$0x3] =	sbarrier.arrive $0xFFFF;
	s2 =	simm.s32 @!p0 $0x1C01  }
0x77: {  	[timem:s3], [sflag:s2] =	dma.local @!p0 [hbm:s0], s1  }
0x78: {  	s0 =	simm.s32 @!p0 $0x1  }
0x79: {  	_ =	swait.ge @!p0 [sflag:s0], s1  }
0x7a: {  	s1 =	ssub.s32 @!p0 $0x0, s1;
	[sflag:s0] =	ssyncset.done @!p0 $0x0  }
0x7b: {  	[sflag:s0] =	ssyncadd.s32 @!p0 s1  }
0x7c: {  	[bflag:$0x3] =	sbarrier.arrive $0xFFFF  }
0x7d: {  	_ =	shalt  }

// kernel: kernel.9.cloned.1.call-start
scs
__scs_entry_jumppad:
0x0: {  	(pc) =	sbr.rel $0x88, $3  }
0x1: {  	(tag) =	ssettag $0x0;
	lr =	simm.s32 $0x1  }
0x2: {  	[smem:$0x3F99] =	sst lr;
	_ =	strace $0xD0000000  }
0x3: {  	_ = 	snop  }
0x4: {  	_ = 	snop  }
0x5: {  	_ = 	snop  }
0x6: {  	_ = 	snop  }
0x7: {  	_ = 	snop  }
__scs_overlays_trampoline_lowered:
0x8: {  	[smem:$0x3FA8] =	sst s0  }
0x9: {  	[smem:$0x3FA9] =	sst s1  }
0xa: {  	[smem:$0x3FAA] =	sst s2  }
0xb: {  	[smem:$0x3FAB] =	sst s3  }
0xc: {  	[smem:$0x3FAC] =	sst s4  }
0xd: {  	[smem:$0x3FAD] =	sst s5  }
0xe: {  	[smem:$0x3FAE] =	sst s6  }
0xf: {  	[smem:$0x3FAF] =	sst s7  }
0x10: {  	[smem:$0x3FB0] =	sst s8  }
0x11: {  	[smem:$0x3FB1] =	sst s9;
	s0 =	simm.s32 @!p0 $0x0  }
0x12: {  	s1 =	sld [smem:$0x3F97];
	s0 =	simm.s32 @p0 $0x1  }
0x13: {  	[smem:$0x3FB2] =	sst s0;
	s0 =	simm.s32 @!p1 $0x0  }
0x14: {  	s2 =	sld [smem:$0x3F96];
	s0 =	simm.s32 @p1 $0x1  }
0x15: {  	[smem:$0x3FB3] =	sst s0;
	s0 =	simm.s32 @!p2 $0x0  }
0x16: {  	s3 =	sld [smem:$0x3FDB];
	s0 =	simm.s32 @p2 $0x1  }
0x17: {  	s4 =	simm.s32 $0x1BF5;
	[smem:$0x3FB5] =	sst s0  }
0x18: {  	s0 =	sld [smem:$0x3F98];
	_ =	swait.ge [sflag:s4], $0x0  }
0x19: {  	s7 =	sld [smem:$0x3F99]  }
0x1a: {  	s8 =	sadd.s32 $0xFFFFE003, lr  }
0x1b: {  	s9 =	sadd.s32 $0xFFFFFEF7, lr;
	s5 =	simm.s32 $0xFFFFFFFF;
	p2 =	slt.u32 s8, $0xFFFFF086  }
0x1c: {  	p1 =	slt.u32 s9, $0xF7A;
	s5 =	simm.s32 @!p2 $0x0  }
0x1d: {  	s5 =	simm.s32 @p1 $0x1;
	p0 =	seq.s32 s7, s2  }
0x1e: {  	s7 =	smul.u32 @!p0 $0xF7A, s2;
	p2 =	seq.s32 @!p0 s5, $0x0  }
0x1f: {  	s9 =	smul.u32 $0xF7A, s1;
	s8 =	simm.s32 @!p0 $0x1BF5;
	p2 =	por !p2, p0  }
0x20: {  	[sflag:s8] =	ssyncset.s32 @!p0 $0xFFFFF086;
	s6 =	sadd.s32 @!p0 s3, s7;
	s7 =	simm.s32 @!p0 $0x108  }
0x21: {  	s3 =	sadd.s32 s3, s9;
	s6 =	sadd.s32 @!p0 $0x88, s6;
	s7 =	simm.s32 @p2 $0x1082  }
0x22: {  	[simem:s7], [sflag:s8] =	dma.local @!p0 [hbm:s6], $0xF7A  }
0x23: {  	s9 =	sor.u32 $0xD0000000, s2;
	s6 =	simm.s32 $0x108;
	_ =	swait.ge @!p0 [sflag:s8], $0x0  }
0x24: {  	s3 =	sadd.s32 $0x88, s3;
	s6 =	simm.s32 @!p1 $0x1082;
	[sflag:s4] =	ssyncset.s32 $0xFFFFF086  }
0x25: {  	[simem:s6], [sflag:s4] =	dma.local [hbm:s3], $0xF7A  }
0x26: {  	[smem:$0x3F99] =	sst s1;
	(tag) =	ssettag s2;
	_ =	strace s9  }
0x27: {  	s1 =	sld [smem:$0x3FA9]  }
0x28: {  	s2 =	sld [smem:$0x3FAA]  }
0x29: {  	s4 =	sld [smem:$0x3FAC]  }
0x2a: {  	p0 =	seq.s32 s5, $0x0;
	s5 =	sld [smem:$0x3FAD]  }
0x2b: {  	s6 =	sld [smem:$0x3FAE]  }
0x2c: {  	s7 =	sld [smem:$0x3FAF]  }
0x2d: {  	s3 =	simm.s32 $0x108;
	s8 =	sld [smem:$0x3FB0]  }
0x2e: {  	s3 =	simm.s32 @!p0 $0x1082;
	s9 =	sld [smem:$0x3FB1]  }
0x2f: {  	lr =	sadd.s32 s0, s3;
	s0 =	sld [smem:$0x3FA8]  }
0x30: {  	s3 =	sld [smem:$0x3FAB]  }
0x31: {  	[smem:$0x3FB4] =	sst s10  }
0x32: {  	s10 =	sld [smem:$0x3FB2];
	_ =	sdelay $0x3  }
0x33: {  	p0 =	seq.s32 s10, $0x1;
	s10 =	sld [smem:$0x3FB4];
	_ =	sdelay $0x3  }
0x34: {  	[smem:$0x3FB4] =	sst s10  }
0x35: {  	s10 =	sld [smem:$0x3FB3];
	_ =	sdelay $0x3  }
0x36: {  	p1 =	seq.s32 s10, $0x1;
	s10 =	sld [smem:$0x3FB4];
	_ =	sdelay $0x3  }
0x37: {  	[smem:$0x3FB4] =	sst s10  }
0x38: {  	s10 =	sld [smem:$0x3FB5]  }
0x39: {  	_ = 	snop;
	(pc) =	sbr.ind lr, $3  }
0x3a: {  	_ = 	snop  }
0x3b: {  	_ = 	snop  }
0x3c: {  	p2 =	seq.s32 s10, $0x1;
	s10 =	sld [smem:$0x3FB4]  }
0x3d: {  	_ =	shalt  }
0x3e: {  	_ =	shalt  }
0x3f: {  	_ =	shalt  }
0x40: {  	_ =	shalt  }
0x41: {  	_ =	shalt  }
0x42: {  	_ =	shalt  }
0x43: {  	_ =	shalt  }
0x44: {  	_ =	shalt  }
0x45: {  	_ =	shalt  }
0x46: {  	_ =	shalt  }
0x47: {  	_ =	shalt  }
0x48: {  	_ =	shalt  }
0x49: {  	_ =	shalt  }
0x4a: {  	_ =	shalt  }
0x4b: {  	_ =	shalt  }
0x4c: {  	_ =	shalt  }
0x4d: {  	_ =	shalt  }
0x4e: {  	_ =	shalt  }
0x4f: {  	_ =	shalt  }
0x50: {  	_ =	shalt  }
0x51: {  	_ =	shalt  }
0x52: {  	_ =	shalt  }
0x53: {  	_ =	shalt  }
0x54: {  	_ =	shalt  }
0x55: {  	_ =	shalt  }
0x56: {  	_ =	shalt  }
0x57: {  	_ =	shalt  }
0x58: {  	_ =	shalt  }
0x59: {  	_ =	shalt  }
0x5a: {  	_ =	shalt  }
0x5b: {  	_ =	shalt  }
0x5c: {  	_ =	shalt  }
0x5d: {  	_ =	shalt  }
0x5e: {  	_ =	shalt  }
0x5f: {  	_ =	shalt  }
0x60: {  	_ =	shalt  }
0x61: {  	_ =	shalt  }
0x62: {  	_ =	shalt  }
0x63: {  	_ =	shalt  }
0x64: {  	_ =	shalt  }
0x65: {  	_ =	shalt  }
0x66: {  	_ =	shalt  }
0x67: {  	_ =	shalt  }
0x68: {  	_ =	shalt  }
0x69: {  	_ =	shalt  }
0x6a: {  	_ =	shalt  }
0x6b: {  	_ =	shalt  }
0x6c: {  	_ =	shalt  }
0x6d: {  	_ =	shalt  }
0x6e: {  	_ =	shalt  }
0x6f: {  	_ =	shalt  }
0x70: {  	_ =	shalt  }
0x71: {  	_ =	shalt  }
0x72: {  	_ =	shalt  }
0x73: {  	_ =	shalt  }
0x74: {  	_ =	shalt  }
0x75: {  	_ =	shalt  }
0x76: {  	_ =	shalt  }
0x77: {  	_ =	shalt  }
0x78: {  	_ =	shalt  }
0x79: {  	_ =	shalt  }
0x7a: {  	_ =	shalt  }
0x7b: {  	_ =	shalt  }
0x7c: {  	_ =	shalt  }
0x7d: {  	_ =	shalt  }
0x7e: {  	_ =	shalt  }
0x7f: {  	_ =	shalt  }
0x80: {  	_ =	shalt  }
0x81: {  	_ =	shalt  }
0x82: {  	_ =	shalt  }
0x83: {  	_ =	shalt  }
0x84: {  	_ =	shalt  }
0x85: {  	_ =	shalt  }
0x86: {  	_ =	shalt  }
0x87: {  	_ =	shalt  }
.Lfunc_end0:
.L_simem_size_0:
called_computation.1_lowered:
.L_overlay_start_0:
0x88: {  	s2 =	sld [smem:$0x3FD9]  }
0x89: {  	s3 =	sld [smem:$0x3FFE];
	_ =	sdelay $0x1  }
0x8a: {  	s1 =	srdreg.scid  }
0x8b: {  	s0 =	sand.u32 $0x1, s1  }
0x8c: {  	s17 =	sshll.u32 s0, $0xA;
	s2 =	sadd.s32 s3, s2  }
0x8d: {  	s2 =	sadd.s32 s2, s17  }
0x8e: {  	[smem:$0x3FC0] =	sst s2  }
0x8f: {  	_ = 	snop  }
0x90: {  	s2 =	sld [smem:$0x3FD0];
	(tm) =	ssettm $0x1  }
0x91: {  	s18 =	sld [smem:$0x3FFB];
	_ =	sdelay $0x3  }
0x92: {  	_ =	strace s18  }
0x93: {  	s3 =	sld [smem:$0x3FFC];
	_ =	sdelay $0x3  }
0x94: {  	_ =	strace s3  }
0x95: {  	s3 =	sld [smem:$0x3FFD];
	_ =	sdelay $0x3  }
0x96: {  	_ =	strace s3  }
0x97: {  	_ =	strace $0x8FFFFFFF  }
0x98: {  	s19 =	sld [smem:$0x3FDB];
	_ =	sdelay $0x1  }
0x99: {  	s4 =	simm.s32 $_scs_section_size  }
0x9a: {  	s5 =	simm.s32 $_size__tile_overlayer_lowered;
	s6 =	simm.s32 $_tile_overlayer_lowered  }
0x9b: {  	s22 =	simm.s32 $0x1BFF;
	s21 =	sshll.u32 s6, $0x1;
	s3 =	sadd.s32 s4, s19  }
0x9c: {  	s7 =	simm.s32 $0x0;
	s20 =	sshll.u32 s5, $0x1;
	s5 =	sadd.s32 s21, s3  }
0x9d: {  	[timem:s7], [sflag:s22] =	dma.local [hbm:s5], s20  }
0x9e: {  	_ =	swait.ge [sflag:s22], s20  }
0x9f: {  	s4 =	ssub.s32 $0x0, s20;
	[sflag:s22] =	ssyncset.done $0x0  }
0xa0: {  	[sflag:s22] =	ssyncadd.s32 s4;
	_ =	sdelay $0x1  }
0xa1: {  	s23 =	simm.s32 $0x1B8B  }
0xa2: {  	_ =	swait.ge [sflag:s23], $0x1  }
0xa3: {  	[sflag:s23] =	ssyncset.done $0x0  }
0xa4: {  	s25 =	simm.s32 $0x1B8E;
	s24 =	sld [smem:$0x3FFE];
	[sflag:s23] =	ssyncadd.s32 $0xFFFFFFFF  }
0xa5: {  	s26 =	simm.s32 $execute0_lowered;
	[smem:$0x3FD2] =	sst s25  }
0xa6: {  	s5 =	sshll.u32 s26, $0x1;
	_ =	strace $0x80000049;
	[dreg:$0x1] =	wrdreg $0xFFFFFFFF  }
0xa7: {  	s28 =	simm.s32 $_size_execute0_lowered;
	s3 =	sadd.s32 s3, s5;
	[dreg:$0x0] =	wrdreg $0x0  }
0xa8: {  	s5 =	sshll.u32 s28, $0x1;
	[dreg:$0x2] =	wrdreg s3  }
0xa9: {  	[dreg:$0x3] =	wrdreg s5  }
0xaa: {  	[dreg:$0x4] =	wrdreg $0xC0  }
0xab: {  	_ =	task [dreg:s7], $0x5FFFF  }
0xac: {  	[dreg:$0x1] =	wrdreg $0xFFFFFFFF  }
0xad: {  	[dreg:$0x0] =	wrdreg $0x60  }
0xae: {  	[dreg:$0x2] =	wrdreg s24  }
0xaf: {  	[dreg:$0x3] =	wrdreg s2  }
0xb0: {  	[dreg:$0x4] =	wrdreg $0x9  }
0xb1: {  	_ =	task.clear_ibuf [dreg:s7], $0x5FFFF;
	_ =	strace $0x90000049  }
0xb2: {  	s29 =	simm.s32 $0x9;
	_ =	strace $0x8000004B  }
0xb3: {  	_ =	swait.ge [sflag:s29], $0x1  }
0xb4: {  	[sflag:s29] =	ssyncadd.s32 $0xFFFFFFFF  }
0xb5: {  	_ =	strace $0x9000004B  }
0xb6: {  	_ =	sfence  }
0xb7: {  	s30 =	sld [smem:$0x0];
	_ =	sdelay $0x2  }
0xb8: {  	s31 =	sshll.u32 s1, $0xD;
	s1 =	sshrl.u32 s1, $0x2  }
0xb9: {  	s3 =	sand.u32 $0x4000, s31;
	s1 =	sadd.s32 s1, s30  }
0xba: {  	s0 =	sor.u32 s3, s0;
	s1 =	sshll.u32 s1, $0x11  }
0xbb: {  	s0 =	sor.u32 s1, s0  }
0xbc: {  	s0 =	sadd.s32 $0x8F2B, s0  }
0xbd: {  	[sflag:s0] =	ssyncadd.remote.s32 $0x1  }
0xbe: {  	_ =	sfence.sel $0xFFFF  }
0xbf: {  	[dreg:$0x0] =	wrdreg $0xFFFFFFFF;
	(pc) =	sbr.abs _section_cstart, $3  }
0xc0: {  	[dreg:$0x1] =	wrdreg $0xFFFFFFFF  }
0xc1: {  	_ =	task.clear_ibuf [dreg:s7], $0x2FFFF;
	_ =	strace $0x9FFFFFFF  }
0xc2: {  	(tm) =	ssettm $0x7FFFFFFF  }
0xc3: {  	_ =	shalt  }
tec
execute0_lowered:
.L_overlay_start_1:
0x0: {  	(tag) =	ssettag $0x1  }
0x1: {  	s0 =	rddreg [dreg:$0x0]  }
0x2: {  	s1 =	rddreg [dreg:$0x1];
	s2 =	simm.s32 $0x0  }
0x3: {  	s3 =	srdreg.scid;
	s5 =	stileid.u32;
	s30 =	simm.s32 $0x80  }
0x4: {  	s29 =	simm.s32 $0x100;
	s31 =	simm.s32 $0x900;
	s11 =	simm.s32 $0x2900  }
0x5: {  	s12 =	simm.s32 $0x3100;
	s13 =	simm.s32 $0x3900;
	s28 =	simm.s32 $0x3  }
0x6: {  	[smem:$0x7FF] =	sst s2;
	s4 =	sand.u32 $0x1, s3;
	s3 =	sadd.s32 $0x1000, s0  }
0x7: {  	s5 =	sshll.u32 s5, $0x8;
	s7 =	sadd.s32 $0xE00, s0;
	s6 =	sshll.u32 s4, $0x7  }
0x8: {  	_ =	strace $0x8000004A;
	s4 =	ssub.s32 $0x2, s4;
	s5 =	sor.u32 s6, s5  }
0x9: {  	s14 =	sshrl.u32 s4, $0x1;
	s8 =	sshrl.u32 s5, $0x3;
	s9 =	sor.u32 $0x20, s5  }
0xa: {  	s10 =	ssub.s32 s4, s14;
	s18 =	sshll.u32 s5, $0x7;
	s19 =	sor.u32 $0x40, s5  }
0xb: {  	s4 =	sadd.s32 $0x1100, s0;
	s5 =	sor.u32 $0x60, s5;
	s14 =	simm.s32 $0x4100  }
0xc: {  	s15 =	sadd.s32 s7, s8;
	s16 =	sshrl.u32 s9, $0x3;
	s6 =	sadd.s32 s1, s18  }
0xd: {  	s20 =	sshrl.u32 s19, $0x3;
	s9 =	sshll.u32 s9, $0x7;
	s22 =	sshrl.u32 s5, $0x3  }
0xe: {  	s24 =	sshll.u32 s19, $0x7;
	s26 =	sshll.u32 s5, $0x7;
	s5 =	sadd.s32 $0x1200, s0  }
0xf: {  	s8 =	simm.s32 $0x2100;
	s18 =	simm.s32 $0x6100;
	[dreg:$0x3] =	wrdreg s15  }
0x10: {  	s19 =	simm.s32 $0x6900;
	s17 =	sadd.s32 s7, s16;
	[dreg:$0x5] =	wrdreg s6  }
0x11: {  	s6 =	sadd.s32 s7, s20;
	s21 =	sadd.s32 s1, s9;
	s23 =	sadd.s32 s7, s22  }
0x12: {  	s25 =	sadd.s32 s1, s24;
	s1 =	sadd.s32 s1, s26;
	[dreg:$0x4] =	wrdreg s17  }
0x13: {  	s7 =	smax.u32 s10, $0x1;
	s22 =	simm.s32 $0x5;
	[dreg:$0x6] =	wrdreg s6  }
0x14: {  	s26 =	simm.s32 $0x1;
	s15 =	simm.s32 $0x4900;
	[dreg:$0x7] =	wrdreg s21  }
0x15: {  	s16 =	simm.s32 $0x5100;
	s20 =	simm.s32 $0x7100;
	[dreg:$0x8] =	wrdreg s23  }
0x16: {  	v2 =	vlaneseq.u32;
	s10 =	simm.s32 $0x7900;
	s9 =	simm.s32 $0x8100;
	[dreg:$0x9] =	wrdreg s25  }
0x17: {  	vm0 =	vmmov $0xffff;
	v1 =	vshrl.u32 v2, $0x3;
	s6 =	sadd.s32 $0x1300, s0;
	[dreg:$0xa] =	wrdreg s1;
	s21 =	simm.s32 $0x4  }
0x18: {  	v0 =	vand.u32 $0x7, v2;
	v2 =	vor.u32 $0x8, v2;
	v1 =	vmul.u32 $0x8, v1;
	s23 =	simm.s32 $0x6;
	s1 =	simm.s32 $0x1900;
	s17 =	simm.s32 $0x5900  }
.LBB2_1:
0x19: {  	s24 =	rddreg [dreg:$0x3]  }
0x1a: {  	[tilespmem:s2], [sflag:$0x1] =	stream.linear.gather [hbm4b:s24+s2], $0x20, $0x38;
	[tilespmem:$0x10100] =	vst v63  }
0x1b: {  	s25 =	rddreg [dreg:$0x4]  }
0x1c: {  	[tilespmem:s30], [sflag:$0x2] =	stream.linear.gather [hbm4b:s25+s2], $0x20, $0x38;
	[tilespmem:$0x10100] =	vst v63  }
0x1d: {  	_ =	swait.ge [sflag:s26], $0x20  }
0x1e: {  	[sflag:s26] =	ssyncset.done $0x0  }
0x1f: {  	[sflag:s26] =	ssyncadd.s32 $0xFFFFFFE0  }
0x20: {  	v3 =	vld [tilespmem:$0x0];
	_ =	sdelay $0x4  }
0x21: {  	v4 =	vshll.u32 v3, $0x3  }
0x22: {  	v3 =	vand.u32 $0x7, v3;
	v4 =	vand.u32 $0xFFFFFFC0, v4  }
0x23: {  	v3 =	vor.u32 v3, v4  }
0x24: {  	v4 =	vperm.xlane v3, v0;
	_ =	sdelay $0x1  }
0x25: {  	v4 =	vadd.s32 v1, v4;
	_ =	sdelay $0x4  }
0x26: {  	[tilespmem:s29], [sflag:$0x3] =	stream.indirect_vreg.gather [hbm4b:s3+s2], $0x80, v4, vm0, $0xb8;
	[tilespmem:$0x10100] =	vst v63  }
0x27: {  	v3 =	vperm.xlane v3, v2  }
0x28: {  	[tilespmem:s31], [sflag:$0x3] =	stream.indirect_vreg.gather [hbm4b:s4+s2], $0x80, v4, vm0, $0xb8;
	[tilespmem:$0x10100] =	vst v63  }
0x29: {  	s0 =	simm.s32 $0x1100;
	v3 =	vadd.s32 v1, v3  }
0x2a: {  	[tilespmem:s0], [sflag:$0x3] =	stream.indirect_vreg.gather [hbm4b:s5+s2], $0x80, v4, vm0, $0xb8;
	[tilespmem:$0x10100] =	vst v63  }
0x2b: {  	_ = 	snop  }
0x2c: {  	[tilespmem:s1], [sflag:$0x3] =	stream.indirect_vreg.gather [hbm4b:s6+s2], $0x80, v4, vm0, $0xb8;
	[tilespmem:$0x10100] =	vst v63  }
0x2d: {  	_ = 	snop  }
0x2e: {  	[tilespmem:s8], [sflag:$0x3] =	stream.indirect_vreg.gather [hbm4b:s3+s2], $0x80, v3, vm0, $0xb8;
	[tilespmem:$0x10100] =	vst v63  }
0x2f: {  	_ = 	snop  }
0x30: {  	[tilespmem:s11], [sflag:$0x3] =	stream.indirect_vreg.gather [hbm4b:s4+s2], $0x80, v3, vm0, $0xb8;
	[tilespmem:$0x10100] =	vst v63  }
0x31: {  	_ = 	snop  }
0x32: {  	[tilespmem:s12], [sflag:$0x3] =	stream.indirect_vreg.gather [hbm4b:s5+s2], $0x80, v3, vm0, $0xb8;
	[tilespmem:$0x10100] =	vst v63  }
0x33: {  	_ = 	snop  }
0x34: {  	[tilespmem:s13], [sflag:$0x3] =	stream.indirect_vreg.gather [hbm4b:s6+s2], $0x80, v3, vm0, $0xb8;
	[tilespmem:$0x10100] =	vst v63  }
0x35: {  	v3 =	vld [tilespmem:$0x10];
	_ =	sdelay $0x4  }
0x36: {  	v57 =	vshll.u32 v3, $0x3  }
0x37: {  	v3 =	vand.u32 $0x7, v3;
	v4 =	vand.u32 $0xFFFFFFC0, v57  }
0x38: {  	v3 =	vor.u32 v3, v4  }
0x39: {  	v4 =	vperm.xlane v3, v0;
	_ =	sdelay $0x1  }
0x3a: {  	v4 =	vadd.s32 v1, v4;
	_ =	sdelay $0x4  }
0x3b: {  	[tilespmem:s14], [sflag:$0x3] =	stream.indirect_vreg.gather [hbm4b:s3+s2], $0x80, v4, vm0, $0xb8;
	[tilespmem:$0x10100] =	vst v63  }
0x3c: {  	v3 =	vperm.xlane v3, v2  }
0x3d: {  	[tilespmem:s15], [sflag:$0x3] =	stream.indirect_vreg.gather [hbm4b:s4+s2], $0x80, v4, vm0, $0xb8;
	[tilespmem:$0x10100] =	vst v63  }
0x3e: {  	v3 =	vadd.s32 v1, v3  }
0x3f: {  	[tilespmem:s16], [sflag:$0x3] =	stream.indirect_vreg.gather [hbm4b:s5+s2], $0x80, v4, vm0, $0xb8;
	[tilespmem:$0x10100] =	vst v63  }
0x40: {  	_ = 	snop  }
0x41: {  	[tilespmem:s17], [sflag:$0x3] =	stream.indirect_vreg.gather [hbm4b:s6+s2], $0x80, v4, vm0, $0xb8;
	[tilespmem:$0x10100] =	vst v63  }
0x42: {  	_ = 	snop  }
0x43: {  	[tilespmem:s18], [sflag:$0x3] =	stream.indirect_vreg.gather [hbm4b:s3+s2], $0x80, v3, vm0, $0xb8;
	[tilespmem:$0x10100] =	vst v63  }
0x44: {  	_ = 	snop  }
0x45: {  	[tilespmem:s19], [sflag:$0x3] =	stream.indirect_vreg.gather [hbm4b:s4+s2], $0x80, v3, vm0, $0xb8;
	[tilespmem:$0x10100] =	vst v63  }
0x46: {  	_ = 	snop  }
0x47: {  	[tilespmem:s20], [sflag:$0x3] =	stream.indirect_vreg.gather [hbm4b:s5+s2], $0x80, v3, vm0, $0xb8;
	[tilespmem:$0x10100] =	vst v63  }
0x48: {  	_ = 	snop  }
0x49: {  	[tilespmem:s10], [sflag:$0x3] =	stream.indirect_vreg.gather [hbm4b:s6+s2], $0x80, v3, vm0, $0xb8;
	[tilespmem:$0x10100] =	vst v63  }
0x4a: {  	_ =	swait.ge [sflag:s28], $0x8000  }
0x4b: {  	[sflag:s28] =	ssyncset.done $0x0  }
0x4c: {  	s25 =	rddreg [dreg:$0x5];
	[sflag:s28] =	ssyncadd.s32 $0xFFFF8000  }
0x4d: {  	[hbm4b:s25+s2] =	stream.linear.scatter [tilespmem:s29], [sflag:$0x5], $0x8000, $0x38;
	[tilespmem:$0x10100] =	vst v63  }
0x4e: {  	s0 =	rddreg [dreg:$0x6]  }
0x4f: {  	[tilespmem:s2], [sflag:$0x1] =	stream.linear.gather [hbm4b:s0+s2], $0x20, $0x38;
	[tilespmem:$0x10100] =	vst v63  }
0x50: {  	s0 =	simm.s32 $0x2  }
0x51: {  	_ =	swait.ge [sflag:s0], $0x20  }
0x52: {  	[sflag:s0] =	ssyncset.done $0x0  }
0x53: {  	[sflag:s0] =	ssyncadd.s32 $0xFFFFFFE0  }
0x54: {  	v3 =	vld [tilespmem:$0x80];
	_ =	sdelay $0x4  }
0x55: {  	v58 =	vshll.u32 v3, $0x3  }
0x56: {  	v3 =	vand.u32 $0x7, v3;
	v4 =	vand.u32 $0xFFFFFFC0, v58  }
0x57: {  	v3 =	vor.u32 v3, v4  }
0x58: {  	v4 =	vperm.xlane v3, v0;
	_ =	sdelay $0x1  }
0x59: {  	v4 =	vadd.s32 v1, v4;
	_ =	sdelay $0x4  }
0x5a: {  	[tilespmem:s9], [sflag:$0x4] =	stream.indirect_vreg.gather [hbm4b:s3+s2], $0x80, v4, vm0, $0xb8;
	[tilespmem:$0x10100] =	vst v63  }
0x5b: {  	s25 =	simm.s32 $0x8900;
	v3 =	vperm.xlane v3, v2  }
0x5c: {  	[tilespmem:s25], [sflag:$0x4] =	stream.indirect_vreg.gather [hbm4b:s4+s2], $0x80, v4, vm0, $0xb8;
	[tilespmem:$0x10100] =	vst v63  }
0x5d: {  	v3 =	vadd.s32 v1, v3;
	s25 =	simm.s32 $0x9100  }
0x5e: {  	[tilespmem:s25], [sflag:$0x4] =	stream.indirect_vreg.gather [hbm4b:s5+s2], $0x80, v4, vm0, $0xb8;
	[tilespmem:$0x10100] =	vst v63  }
0x5f: {  	s25 =	simm.s32 $0x9900  }
0x60: {  	[tilespmem:s25], [sflag:$0x4] =	stream.indirect_vreg.gather [hbm4b:s6+s2], $0x80, v4, vm0, $0xb8;
	[tilespmem:$0x10100] =	vst v63  }
0x61: {  	s25 =	simm.s32 $0xA100  }
0x62: {  	[tilespmem:s25], [sflag:$0x4] =	stream.indirect_vreg.gather [hbm4b:s3+s2], $0x80, v3, vm0, $0xb8;
	[tilespmem:$0x10100] =	vst v63  }
0x63: {  	s25 =	simm.s32 $0xA900  }
0x64: {  	[tilespmem:s25], [sflag:$0x4] =	stream.indirect_vreg.gather [hbm4b:s4+s2], $0x80, v3, vm0, $0xb8;
	[tilespmem:$0x10100] =	vst v63  }
0x65: {  	s25 =	simm.s32 $0xB100  }
0x66: {  	[tilespmem:s25], [sflag:$0x4] =	stream.indirect_vreg.gather [hbm4b:s5+s2], $0x80, v3, vm0, $0xb8;
	[tilespmem:$0x10100] =	vst v63  }
0x67: {  	s25 =	simm.s32 $0xB900  }
0x68: {  	[tilespmem:s25], [sflag:$0x4] =	stream.indirect_vreg.gather [hbm4b:s6+s2], $0x80, v3, vm0, $0xb8;
	[tilespmem:$0x10100] =	vst v63  }
0x69: {  	v3 =	vld [tilespmem:$0x90];
	_ =	sdelay $0x4  }
0x6a: {  	v59 =	vshll.u32 v3, $0x3  }
0x6b: {  	v3 =	vand.u32 $0x7, v3;
	v4 =	vand.u32 $0xFFFFFFC0, v59  }
0x6c: {  	v3 =	vor.u32 v3, v4  }
0x6d: {  	v4 =	vperm.xlane v3, v0;
	_ =	sdelay $0x1  }
0x6e: {  	v4 =	vadd.s32 v1, v4;
	_ =	sdelay $0x3  }
0x6f: {  	s25 =	simm.s32 $0xC100  }
0x70: {  	[tilespmem:s25], [sflag:$0x4] =	stream.indirect_vreg.gather [hbm4b:s3+s2], $0x80, v4, vm0, $0xb8;
	[tilespmem:$0x10100] =	vst v63  }
0x71: {  	v3 =	vperm.xlane v3, v2;
	s25 =	simm.s32 $0xC900  }
0x72: {  	[tilespmem:s25], [sflag:$0x4] =	stream.indirect_vreg.gather [hbm4b:s4+s2], $0x80, v4, vm0, $0xb8;
	[tilespmem:$0x10100] =	vst v63  }
0x73: {  	v3 =	vadd.s32 v1, v3;
	s25 =	simm.s32 $0xD100  }
0x74: {  	[tilespmem:s25], [sflag:$0x4] =	stream.indirect_vreg.gather [hbm4b:s5+s2], $0x80, v4, vm0, $0xb8;
	[tilespmem:$0x10100] =	vst v63  }
0x75: {  	s25 =	simm.s32 $0xD900  }
0x76: {  	[tilespmem:s25], [sflag:$0x4] =	stream.indirect_vreg.gather [hbm4b:s6+s2], $0x80, v4, vm0, $0xb8;
	[tilespmem:$0x10100] =	vst v63  }
0x77: {  	s25 =	simm.s32 $0xE100  }
0x78: {  	[tilespmem:s25], [sflag:$0x4] =	stream.indirect_vreg.gather [hbm4b:s3+s2], $0x80, v3, vm0, $0xb8;
	[tilespmem:$0x10100] =	vst v63  }
0x79: {  	s25 =	simm.s32 $0xE900  }
0x7a: {  	[tilespmem:s25], [sflag:$0x4] =	stream.indirect_vreg.gather [hbm4b:s4+s2], $0x80, v3, vm0, $0xb8;
	[tilespmem:$0x10100] =	vst v63  }
0x7b: {  	s25 =	simm.s32 $0xF100  }
0x7c: {  	[tilespmem:s25], [sflag:$0x4] =	stream.indirect_vreg.gather [hbm4b:s5+s2], $0x80, v3, vm0, $0xb8;
	[tilespmem:$0x10100] =	vst v63  }
0x7d: {  	s25 =	simm.s32 $0xF900  }
0x7e: {  	[tilespmem:s25], [sflag:$0x4] =	stream.indirect_vreg.gather [hbm4b:s6+s2], $0x80, v3, vm0, $0xb8;
	[tilespmem:$0x10100] =	vst v63  }
0x7f: {  	_ =	swait.ge [sflag:s21], $0x8000  }
0x80: {  	[sflag:s21] =	ssyncset.done $0x0  }
0x81: {  	s24 =	rddreg [dreg:$0x7];
	[sflag:s21] =	ssyncadd.s32 $0xFFFF8000  }
0x82: {  	[hbm4b:s24+s2] =	stream.linear.scatter [tilespmem:s9], [sflag:$0x6], $0x8000, $0x38;
	[tilespmem:$0x10100] =	vst v63  }
0x83: {  	s25 =	rddreg [dreg:$0x8]  }
0x84: {  	[tilespmem:s30], [sflag:$0x2] =	stream.linear.gather [hbm4b:s25+s2], $0x20, $0x38;
	[tilespmem:$0x10100] =	vst v63  }
0x85: {  	_ =	swait.ge [sflag:s26], $0x20  }
0x86: {  	[sflag:s26] =	ssyncset.done $0x0  }
0x87: {  	[sflag:s26] =	ssyncadd.s32 $0xFFFFFFE0  }
0x88: {  	_ =	swait.ge [sflag:s22], $0x8000  }
0x89: {  	[sflag:s22] =	ssyncset.done $0x0  }
0x8a: {  	[sflag:s22] =	ssyncadd.s32 $0xFFFF8000  }
0x8b: {  	v3 =	vld [tilespmem:$0x0];
	_ =	sdelay $0x4  }
0x8c: {  	v60 =	vshll.u32 v3, $0x3  }
0x8d: {  	v3 =	vand.u32 $0x7, v3;
	v4 =	vand.u32 $0xFFFFFFC0, v60  }
0x8e: {  	v3 =	vor.u32 v3, v4  }
0x8f: {  	v4 =	vperm.xlane v3, v0;
	_ =	sdelay $0x1  }
0x90: {  	v4 =	vadd.s32 v1, v4;
	_ =	sdelay $0x4  }
0x91: {  	[tilespmem:s29], [sflag:$0x3] =	stream.indirect_vreg.gather [hbm4b:s3+s2], $0x80, v4, vm0, $0xb8;
	[tilespmem:$0x10100] =	vst v63  }
0x92: {  	v3 =	vperm.xlane v3, v2  }
0x93: {  	[tilespmem:s31], [sflag:$0x3] =	stream.indirect_vreg.gather [hbm4b:s4+s2], $0x80, v4, vm0, $0xb8;
	[tilespmem:$0x10100] =	vst v63  }
0x94: {  	s25 =	simm.s32 $0x1100;
	v3 =	vadd.s32 v1, v3  }
0x95: {  	[tilespmem:s25], [sflag:$0x3] =	stream.indirect_vreg.gather [hbm4b:s5+s2], $0x80, v4, vm0, $0xb8;
	[tilespmem:$0x10100] =	vst v63  }
0x96: {  	_ = 	snop  }
0x97: {  	[tilespmem:s1], [sflag:$0x3] =	stream.indirect_vreg.gather [hbm4b:s6+s2], $0x80, v4, vm0, $0xb8;
	[tilespmem:$0x10100] =	vst v63  }
0x98: {  	_ = 	snop  }
0x99: {  	[tilespmem:s8], [sflag:$0x3] =	stream.indirect_vreg.gather [hbm4b:s3+s2], $0x80, v3, vm0, $0xb8;
	[tilespmem:$0x10100] =	vst v63  }
0x9a: {  	_ = 	snop  }
0x9b: {  	[tilespmem:s11], [sflag:$0x3] =	stream.indirect_vreg.gather [hbm4b:s4+s2], $0x80, v3, vm0, $0xb8;
	[tilespmem:$0x10100] =	vst v63  }
0x9c: {  	_ = 	snop  }
0x9d: {  	[tilespmem:s12], [sflag:$0x3] =	stream.indirect_vreg.gather [hbm4b:s5+s2], $0x80, v3, vm0, $0xb8;
	[tilespmem:$0x10100] =	vst v63  }
0x9e: {  	_ = 	snop  }
0x9f: {  	[tilespmem:s13], [sflag:$0x3] =	stream.indirect_vreg.gather [hbm4b:s6+s2], $0x80, v3, vm0, $0xb8;
	[tilespmem:$0x10100] =	vst v63  }
0xa0: {  	v3 =	vld [tilespmem:$0x10];
	_ =	sdelay $0x4  }
0xa1: {  	v61 =	vshll.u32 v3, $0x3  }
0xa2: {  	v3 =	vand.u32 $0x7, v3;
	v4 =	vand.u32 $0xFFFFFFC0, v61  }
0xa3: {  	v3 =	vor.u32 v3, v4  }
0xa4: {  	v4 =	vperm.xlane v3, v0;
	_ =	sdelay $0x1  }
0xa5: {  	v4 =	vadd.s32 v1, v4;
	_ =	sdelay $0x4  }
0xa6: {  	[tilespmem:s14], [sflag:$0x3] =	stream.indirect_vreg.gather [hbm4b:s3+s2], $0x80, v4, vm0, $0xb8;
	[tilespmem:$0x10100] =	vst v63  }
0xa7: {  	v3 =	vperm.xlane v3, v2  }
0xa8: {  	[tilespmem:s15], [sflag:$0x3] =	stream.indirect_vreg.gather [hbm4b:s4+s2], $0x80, v4, vm0, $0xb8;
	[tilespmem:$0x10100] =	vst v63  }
0xa9: {  	v3 =	vadd.s32 v1, v3  }
0xaa: {  	[tilespmem:s16], [sflag:$0x3] =	stream.indirect_vreg.gather [hbm4b:s5+s2], $0x80, v4, vm0, $0xb8;
	[tilespmem:$0x10100] =	vst v63  }
0xab: {  	_ = 	snop  }
0xac: {  	[tilespmem:s17], [sflag:$0x3] =	stream.indirect_vreg.gather [hbm4b:s6+s2], $0x80, v4, vm0, $0xb8;
	[tilespmem:$0x10100] =	vst v63  }
0xad: {  	_ = 	snop  }
0xae: {  	[tilespmem:s18], [sflag:$0x3] =	stream.indirect_vreg.gather [hbm4b:s3+s2], $0x80, v3, vm0, $0xb8;
	[tilespmem:$0x10100] =	vst v63  }
0xaf: {  	_ = 	snop  }
0xb0: {  	[tilespmem:s19], [sflag:$0x3] =	stream.indirect_vreg.gather [hbm4b:s4+s2], $0x80, v3, vm0, $0xb8;
	[tilespmem:$0x10100] =	vst v63  }
0xb1: {  	_ = 	snop  }
0xb2: {  	[tilespmem:s20], [sflag:$0x3] =	stream.indirect_vreg.gather [hbm4b:s5+s2], $0x80, v3, vm0, $0xb8;
	[tilespmem:$0x10100] =	vst v63  }
0xb3: {  	_ = 	snop  }
0xb4: {  	[tilespmem:s10], [sflag:$0x3] =	stream.indirect_vreg.gather [hbm4b:s6+s2], $0x80, v3, vm0, $0xb8;
	[tilespmem:$0x10100] =	vst v63  }
0xb5: {  	_ =	swait.ge [sflag:s28], $0x8000  }
0xb6: {  	[sflag:s28] =	ssyncset.done $0x0  }
0xb7: {  	s25 =	rddreg [dreg:$0x9];
	[sflag:s28] =	ssyncadd.s32 $0xFFFF8000  }
0xb8: {  	[hbm4b:s25+s2] =	stream.linear.scatter [tilespmem:s29], [sflag:$0x5], $0x8000, $0x38;
	[tilespmem:$0x10100] =	vst v63  }
0xb9: {  	_ =	swait.ge [sflag:s0], $0x20  }
0xba: {  	[sflag:s0] =	ssyncset.done $0x0  }
0xbb: {  	[sflag:s0] =	ssyncadd.s32 $0xFFFFFFE0  }
0xbc: {  	_ =	swait.ge [sflag:s23], $0x8000  }
0xbd: {  	[sflag:s23] =	ssyncset.done $0x0  }
0xbe: {  	[sflag:s23] =	ssyncadd.s32 $0xFFFF8000  }
0xbf: {  	v3 =	vld [tilespmem:$0x80];
	_ =	sdelay $0x4  }
0xc0: {  	v62 =	vshll.u32 v3, $0x3  }
0xc1: {  	v3 =	vand.u32 $0x7, v3;
	v4 =	vand.u32 $0xFFFFFFC0, v62  }
0xc2: {  	v3 =	vor.u32 v3, v4  }
0xc3: {  	v4 =	vperm.xlane v3, v0;
	_ =	sdelay $0x1  }
0xc4: {  	v4 =	vadd.s32 v1, v4;
	_ =	sdelay $0x4  }
0xc5: {  	[tilespmem:s9], [sflag:$0x4] =	stream.indirect_vreg.gather [hbm4b:s3+s2], $0x80, v4, vm0, $0xb8;
	[tilespmem:$0x10100] =	vst v63  }
0xc6: {  	s24 =	simm.s32 $0x8900;
	v3 =	vperm.xlane v3, v2  }
0xc7: {  	[tilespmem:s24], [sflag:$0x4] =	stream.indirect_vreg.gather [hbm4b:s4+s2], $0x80, v4, vm0, $0xb8;
	[tilespmem:$0x10100] =	vst v63  }
0xc8: {  	s25 =	simm.s32 $0x9100;
	v3 =	vadd.s32 v1, v3  }
0xc9: {  	[tilespmem:s25], [sflag:$0x4] =	stream.indirect_vreg.gather [hbm4b:s5+s2], $0x80, v4, vm0, $0xb8;
	[tilespmem:$0x10100] =	vst v63  }
0xca: {  	s24 =	simm.s32 $0x9900  }
0xcb: {  	[tilespmem:s24], [sflag:$0x4] =	stream.indirect_vreg.gather [hbm4b:s6+s2], $0x80, v4, vm0, $0xb8;
	[tilespmem:$0x10100] =	vst v63  }
0xcc: {  	s25 =	simm.s32 $0xA100  }
0xcd: {  	[tilespmem:s25], [sflag:$0x4] =	stream.indirect_vreg.gather [hbm4b:s3+s2], $0x80, v3, vm0, $0xb8;
	[tilespmem:$0x10100] =	vst v63  }
0xce: {  	s24 =	simm.s32 $0xA900  }
0xcf: {  	[tilespmem:s24], [sflag:$0x4] =	stream.indirect_vreg.gather [hbm4b:s4+s2], $0x80, v3, vm0, $0xb8;
	[tilespmem:$0x10100] =	vst v63  }
0xd0: {  	s25 =	simm.s32 $0xB100  }
0xd1: {  	[tilespmem:s25], [sflag:$0x4] =	stream.indirect_vreg.gather [hbm4b:s5+s2], $0x80, v3, vm0, $0xb8;
	[tilespmem:$0x10100] =	vst v63  }
0xd2: {  	s24 =	simm.s32 $0xB900  }
0xd3: {  	[tilespmem:s24], [sflag:$0x4] =	stream.indirect_vreg.gather [hbm4b:s6+s2], $0x80, v3, vm0, $0xb8;
	[tilespmem:$0x10100] =	vst v63  }
0xd4: {  	v3 =	vld [tilespmem:$0x90];
	_ =	sdelay $0x4  }
0xd5: {  	v63 =	vshll.u32 v3, $0x3  }
0xd6: {  	v3 =	vand.u32 $0x7, v3;
	v4 =	vand.u32 $0xFFFFFFC0, v63  }
0xd7: {  	v3 =	vor.u32 v3, v4  }
0xd8: {  	v4 =	vperm.xlane v3, v0;
	_ =	sdelay $0x1  }
0xd9: {  	v4 =	vadd.s32 v1, v4;
	_ =	sdelay $0x3  }
0xda: {  	s25 =	simm.s32 $0xC100  }
0xdb: {  	[tilespmem:s25], [sflag:$0x4] =	stream.indirect_vreg.gather [hbm4b:s3+s2], $0x80, v4, vm0, $0xb8;
	[tilespmem:$0x10100] =	vst v63  }
0xdc: {  	s24 =	simm.s32 $0xC900;
	v3 =	vperm.xlane v3, v2  }
0xdd: {  	[tilespmem:s24], [sflag:$0x4] =	stream.indirect_vreg.gather [hbm4b:s4+s2], $0x80, v4, vm0, $0xb8;
	[tilespmem:$0x10100] =	vst v63  }
0xde: {  	v3 =	vadd.s32 v1, v3;
	s25 =	simm.s32 $0xD100  }
0xdf: {  	[tilespmem:s25], [sflag:$0x4] =	stream.indirect_vreg.gather [hbm4b:s5+s2], $0x80, v4, vm0, $0xb8;
	[tilespmem:$0x10100] =	vst v63  }
0xe0: {  	s24 =	simm.s32 $0xD900  }
0xe1: {  	[tilespmem:s24], [sflag:$0x4] =	stream.indirect_vreg.gather [hbm4b:s6+s2], $0x80, v4, vm0, $0xb8;
	[tilespmem:$0x10100] =	vst v63  }
0xe2: {  	s25 =	simm.s32 $0xE100  }
0xe3: {  	[tilespmem:s25], [sflag:$0x4] =	stream.indirect_vreg.gather [hbm4b:s3+s2], $0x80, v3, vm0, $0xb8;
	[tilespmem:$0x10100] =	vst v63  }
0xe4: {  	s24 =	simm.s32 $0xE900  }
0xe5: {  	[tilespmem:s24], [sflag:$0x4] =	stream.indirect_vreg.gather [hbm4b:s4+s2], $0x80, v3, vm0, $0xb8;
	[tilespmem:$0x10100] =	vst v63  }
0xe6: {  	s25 =	simm.s32 $0xF100  }
0xe7: {  	[tilespmem:s25], [sflag:$0x4] =	stream.indirect_vreg.gather [hbm4b:s5+s2], $0x80, v3, vm0, $0xb8;
	[tilespmem:$0x10100] =	vst v63  }
0xe8: {  	s24 =	simm.s32 $0xF900  }
0xe9: {  	[tilespmem:s24], [sflag:$0x4] =	stream.indirect_vreg.gather [hbm4b:s6+s2], $0x80, v3, vm0, $0xb8;
	[tilespmem:$0x10100] =	vst v63  }
0xea: {  	_ =	swait.ge [sflag:s21], $0x8000  }
0xeb: {  	[sflag:s21] =	ssyncset.done $0x0  }
0xec: {  	s25 =	rddreg [dreg:$0xa];
	[sflag:s21] =	ssyncadd.s32 $0xFFFF8000  }
0xed: {  	[hbm4b:s25+s2] =	stream.linear.scatter [tilespmem:s9], [sflag:$0x6], $0x8000, $0x38;
	[tilespmem:$0x10100] =	vst v63  }
0xee: {  	p0 =	sne.s32 s7, $0x1;
	_ =	swait.ge [sflag:s22], $0x8000  }
.Ltmp0:
0xef: {  	[sflag:s22] =	ssyncset.done $0x0;
	(pc) =	sbr.rel @p0 .LBB2_1-.Ltmp0, $4  }
0xf0: {  	[sflag:s22] =	ssyncadd.s32 $0xFFFF8000  }
0xf1: {  	_ =	swait.ge [sflag:s23], $0x8000  }
0xf2: {  	[sflag:s23] =	ssyncset.done $0x0  }
0xf3: {  	s7 =	sadd.s32 $0xFFFFFFFF, s7;
	[sflag:s23] =	ssyncadd.s32 $0xFFFF8000  }
0xf4: {  	_ =	sfence.sel $0x180000  }
0xf5: {  	[bflag:$0x0] =	sbarrier.arrive $0xFFFF  }
0xf6: {  	_ =	strace $0x9000004A  }
0xf7: {  	s0 =	stileid.u32;
	[bflag:$0x2] =	sbarrier.arrive $0xFFFF  }
0xf8: {  	p0 =	sne.s32 s0, $0x0;
	s0 =	rddreg [dreg:$0x2]  }
0xf9: {  	s0 =	sadd.s32 @!p0 $0x100000, s0  }
0xfa: {  	[sflag:s0] =	ssyncadd.tile.s32 @!p0 $0x1;
	_ =	shalt  }
.Lfunc_end2:
_tile_overlayer_lowered:
.L_overlay_start_2:
0xfb: {  	(tag) =	ssettag $0x2  }
0xfc: {  	s0 =	rddreg [dreg:$0x0];
	s2 =	stileid.u32  }
0xfd: {  	s1 =	rddreg [dreg:$0x1];
	p0 =	sne.s32 s2, $0x0  }
0xfe: {  	s3 =	rddreg [dreg:$0x2];
	[bflag:$0x3] =	sbarrier.arrive $0xFFFF;
	s2 =	simm.s32 @!p0 $0x1C07  }
0xff: {  	[timem:s3], [sflag:s2] =	dma.local @!p0 [hbm:s0], s1  }
0x100: {  	s0 =	simm.s32 @!p0 $0x7  }
0x101: {  	_ =	swait.ge @!p0 [sflag:s0], s1  }
0x102: {  	s1 =	ssub.s32 @!p0 $0x0, s1;
	[sflag:s0] =	ssyncset.done @!p0 $0x0  }
0x103: {  	[sflag:s0] =	ssyncadd.s32 @!p0 s1  }
0x104: {  	[bflag:$0x3] =	sbarrier.arrive $0xFFFF  }
0x105: {  	_ =	shalt  }

</sc_bundles>
